<compile_context>
chip_gen: v7x
topology: tpu7x:2x2x1
jax: 0.10.2.dev20260603
libtpu: 0.0.44.dev20260713+nightly
codegen_flags: <defaults>
</compile_context>

<pallas_src>
import jax
import jax.numpy as jnp
import numpy as np
from jax import lax
from jax.experimental import pallas as pl
from jax.experimental.pallas import tpu as pltpu
from jax.experimental.pallas import tpu_sc as plsc

T = 2048
HID = 768
H, D = 12, 64
FW = 64
A_SAL, B_SAL = 1.0, 0.25
ALPHA = 0.1
TAU = max(FW / 4.0, 1.0)
KK = 48
G_GLOB, T_TELE = 4, 2
EX = G_GLOB + T_TELE + 2
SCALE = 1.0 / np.sqrt(D)
BQ = 256
BAND = 384
BIG = 1e30
BUCKET = T // G_GLOB
NBUCKETS = H * G_GLOB
NW = 32
L = 16

_TELE = [int(v) for v in
         np.round(np.linspace(0.0, T - 1.0, T_TELE + 2)[1:-1]).astype(np.int32)]
_STATIC_EXTRAS = _TELE + [0, T - 1]



def _qkv_kernel(x_ref, w_ref, b_ref, q_ref, k_ref, v_ref, sal_ref, prev_scr):
    i = pl.program_id(0)
    h = pl.program_id(1)
    x = x_ref[...]
    y = jnp.dot(x, w_ref[0], preferred_element_type=jnp.float32,
                precision=jax.lax.Precision.DEFAULT) + b_ref[0]
    q_ref[0] = y[:, :D]
    kblk = y[:, D:2 * D]
    v_ref[0] = y[:, 2 * D:]
    k_ref[0] = kblk
    prev = jnp.where(i == 0, kblk[0:1, :], prev_scr[pl.ds(h, 1), :])
    kshift = jnp.concatenate([prev, kblk[:-1, :]], axis=0)
    dkb = kblk - kshift
    kn = jnp.sqrt(jnp.sum(kblk * kblk, axis=1, keepdims=True))
    dn = jnp.sqrt(jnp.sum(dkb * dkb, axis=1, keepdims=True))
    sal_ref[0] = A_SAL * kn + B_SAL * dn
    prev_scr[pl.ds(h, 1), :] = kblk[BQ - 1:BQ, :]



def _lane_perm(v, idx):
    return lax.gather(
        v, idx[:, None],
        dimension_numbers=lax.GatherDimensionNumbers(
            offset_dims=(), collapsed_slice_dims=(0,), start_index_map=(0,)),
        slice_sizes=(1,),
        mode=lax.GatherScatterMode.PROMISE_IN_BOUNDS)


def _route_sc(sal_hbm, g_hbm, sbuf, res):
    wid = lax.axis_index("s") * 2 + lax.axis_index("c")
    lanes = lax.iota(jnp.int32, L)
    for r in range((NBUCKETS + NW - 1) // NW):
        b = wid + r * NW

        @pl.when(b < NBUCKETS)
        def _():
            pltpu.sync_copy(sal_hbm.at[pl.ds(b * BUCKET, BUCKET)], sbuf)
            bestv = jnp.full((L,), -np.inf, jnp.float32)
            bestp = jnp.zeros((L,), jnp.int32)
            for c in range(BUCKET // L):
                v = sbuf[pl.ds(c * L, L)]
                pos = lanes + c * L
                better = v > bestv
                bestv = jnp.where(better, v, bestv)
                bestp = jnp.where(better, pos, bestp)
            for k in (8, 4, 2, 1):
                perm = jnp.bitwise_xor(lanes, k)
                ov = _lane_perm(bestv, perm)
                op = _lane_perm(bestp, perm)
                take = (ov > bestv) | ((ov == bestv) & (op < bestp))
                bestv = jnp.where(take, ov, bestv)
                bestp = jnp.where(take, op, bestp)
            res[...] = bestp + (b % G_GLOB) * BUCKET
            pltpu.sync_copy(res, g_hbm.at[b])



def _attn_kernel(g_ref, q_ref, k_ref, v_ref, o_ref, ke_scr, ve_scr):
    h = pl.program_id(0)
    qb = pl.program_id(1)
    t0 = qb * BQ

    evals = [g_ref[(h * G_GLOB + j) * L] for j in range(G_GLOB)]
    evals += list(_STATIC_EXTRAS)
    lane8 = jax.lax.broadcasted_iota(jnp.int32, (1, EX), 1)
    ef = jnp.zeros((1, EX), jnp.float32)
    for j, e in enumerate(evals):
        ef = jnp.where(lane8 == j, jnp.float32(1.0) * e, ef)

    @pl.when(qb == 0)
    def _():
        for j, e in enumerate(evals):
            ke_scr[pl.ds(j, 1), :] = k_ref[0, pl.ds(e, 1), :]
            ve_scr[pl.ds(j, 1), :] = v_ref[0, pl.ds(e, 1), :]

    q = q_ref[0]
    s0 = jnp.clip(t0 - 64, 0, T - BAND)
    kb = k_ref[0, pl.ds(s0, BAND), :]
    vb = v_ref[0, pl.ds(s0, BAND), :]

    sw = jax.lax.dot_general(q, kb, (((1,), (1,)), ((), ())),
                             preferred_element_type=jnp.float32,
                             precision=jax.lax.Precision.HIGHEST) * SCALE
    rows = t0 + jax.lax.broadcasted_iota(jnp.int32, (BQ, BAND), 0)
    cols = s0 + jax.lax.broadcasted_iota(jnp.int32, (BQ, BAND), 1)
    starts = jnp.clip(rows - FW // 2, 0, T - FW)
    valid = (cols >= starts) & (cols < starts + FW)
    dist = jnp.abs(cols - rows).astype(jnp.float32)
    sb = sw - (ALPHA / TAU) * dist

    work = jnp.where(valid, sb, BIG)
    for _ in range(FW - KK):
        m = jnp.min(work, axis=1, keepdims=True)
        work = jnp.where(work == m, BIG, work)
    kept = work < (BIG * 0.5)
    swin = jnp.where(kept, sb, -BIG)

    se = jax.lax.dot_general(q, ke_scr[...], (((1,), (1,)), ((), ())),
                             preferred_element_type=jnp.float32,
                             precision=jax.lax.Precision.HIGHEST) * SCALE
    trow = (t0 + jax.lax.broadcasted_iota(jnp.int32, (BQ, EX), 0)).astype(jnp.float32)
    se = se - (ALPHA / TAU) * jnp.abs(ef - trow)

    mrow = jnp.maximum(jnp.max(swin, axis=1, keepdims=True),
                       jnp.max(se, axis=1, keepdims=True))
    pw = jnp.where(kept, jnp.exp(swin - mrow), 0.0)
    pe = jnp.exp(se - mrow)
    denom = (jnp.sum(pw, axis=1, keepdims=True)
             + jnp.sum(pe, axis=1, keepdims=True))
    acc = (jnp.dot(pw, vb, preferred_element_type=jnp.float32,
                   precision=jax.lax.Precision.HIGHEST)
           + jnp.dot(pe, ve_scr[...], preferred_element_type=jnp.float32,
                     precision=jax.lax.Precision.HIGHEST))
    o_ref[0] = acc / denom


@jax.jit
def _run(x, Wq, bq, Wk, bk, Wv, bv):
    x2 = x.reshape(T, HID)
    Wq3 = Wq.reshape(HID, H, D).transpose(1, 0, 2)
    Wk3 = Wk.reshape(HID, H, D).transpose(1, 0, 2)
    Wv3 = Wv.reshape(HID, H, D).transpose(1, 0, 2)

    Wf = jnp.concatenate([Wq3, Wk3, Wv3], axis=2)
    bf = jnp.concatenate([bq.reshape(H, 1, D), bk.reshape(H, 1, D),
                          bv.reshape(H, 1, D)], axis=2)

    wspec = pl.BlockSpec((1, HID, 3 * D), lambda i, h: (h, 0, 0))
    bspec = pl.BlockSpec((1, 1, 3 * D), lambda i, h: (h, 0, 0))
    ospec = pl.BlockSpec((1, BQ, D), lambda i, h: (h, i, 0))
    xspec = pl.BlockSpec((BQ, HID), lambda i, h: (i, 0))

    q3, k3, v3, sal3 = pl.pallas_call(
        _qkv_kernel,
        grid=(T // BQ, H),
        in_specs=[xspec, wspec, bspec],
        out_specs=[ospec, ospec, ospec,
                   pl.BlockSpec((1, BQ, 1), lambda i, h: (h, i, 0))],
        out_shape=[jax.ShapeDtypeStruct((H, T, D), jnp.float32)] * 3
        + [jax.ShapeDtypeStruct((H, T, 1), jnp.float32)],
        scratch_shapes=[pltpu.VMEM((16, D), jnp.float32)],
    )(x2, Wf, bf)

    g_out = pl.kernel(
        _route_sc,
        out_type=jax.ShapeDtypeStruct((NBUCKETS, L), jnp.int32),
        mesh=plsc.VectorSubcoreMesh(core_axis_name="c", subcore_axis_name="s"),
        scratch_types=[
            pltpu.VMEM((BUCKET,), jnp.float32),
            pltpu.VMEM((L,), jnp.int32),
        ],
    )(sal3.reshape(H * T))

    out3 = pl.pallas_call(
        _attn_kernel,
        grid_spec=pltpu.PrefetchScalarGridSpec(
            num_scalar_prefetch=1,
            grid=(H, T // BQ),
            in_specs=[
                pl.BlockSpec((1, BQ, D), lambda h, qb, g: (h, qb, 0)),
                pl.BlockSpec((1, T, D), lambda h, qb, g: (h, 0, 0)),
                pl.BlockSpec((1, T, D), lambda h, qb, g: (h, 0, 0)),
            ],
            out_specs=pl.BlockSpec((1, BQ, D), lambda h, qb, g: (h, qb, 0)),
            scratch_shapes=[
                pltpu.VMEM((EX, D), jnp.float32),
                pltpu.VMEM((EX, D), jnp.float32),
            ],
        ),
        out_shape=jax.ShapeDtypeStruct((H, T, D), jnp.float32),
    )(g_out.reshape(NBUCKETS * L), q3, k3, v3)

    return out3.transpose(1, 0, 2).reshape(1, T, HID)


def kernel(hidden_states, Wq, bq, Wk, bk, Wv, bv):
    return _run(hidden_states, Wq, bq, Wk, bk, Wv, bv)

# --- scband reference (transcript-rebuilt; emitter-appended) ---
"""Pipeline reference for scband-fast-big-bird-self-attention-8830452760955 (READ-ONLY COPY).

The authoritative reference and input builder live on the scoring server;
editing this copy changes nothing except your own understanding.
"""

import jax, jax.numpy as jnp
import numpy as np

B, T, HID = 1, 2048, 768
H, D = 12, 64
FW = 64
A_SAL, B_SAL = 1.0, 0.25
ALPHA = 0.1
MIN_K, MAX_K, R_T = 48, 64, 0.16
G_GLOB, T_TELE = 4, 2
TAU = max(FW / 4.0, 1.0)


def setup_inputs(seed: int = 0):
    key = jax.random.key(seed)
    ks = jax.random.split(key, 7)
    x = jax.random.normal(ks[0], (B, T, HID), dtype=jnp.float32)
    s = 1.0 / np.sqrt(HID)
    Wq = jax.random.normal(ks[1], (HID, H * D), dtype=jnp.float32) * s
    Wk = jax.random.normal(ks[2], (HID, H * D), dtype=jnp.float32) * s
    Wv = jax.random.normal(ks[3], (HID, H * D), dtype=jnp.float32) * s
    bq = jnp.zeros((H * D,), jnp.float32)
    bk = jnp.zeros((H * D,), jnp.float32)
    bv = jnp.zeros((H * D,), jnp.float32)
    return {"hidden_states": x, "Wq": Wq, "bq": bq, "Wk": Wk, "bk": bk, "Wv": Wv, "bv": bv}


def _forward(x, Wq, bq, Wk, bk, Wv, bv):
    Bv, Tv = x.shape[0], x.shape[1]

    def split_heads(y):
        return y.reshape(Bv, Tv, H, D).transpose(0, 2, 1, 3).reshape(Bv * H, Tv, D)

    q = split_heads(x @ Wq + bq)
    k = split_heads(x @ Wk + bk)
    v = split_heads(x @ Wv + bv)
    scale = 1.0 / np.sqrt(D)

    # salience per head: s(h,t) = a * mean_b ||K|| + b * mean_b ||K_t - K_{t-1}||
    KHB = k.reshape(Bv, H, Tv, D).transpose(1, 0, 2, 3)  # [H,B,T,D]
    kn = jnp.linalg.norm(KHB, axis=-1).mean(axis=1)
    dK = KHB - jnp.concatenate([KHB[:, :, :1, :], KHB[:, :, :-1, :]], axis=2)
    dn = jnp.linalg.norm(dK, axis=-1).mean(axis=1)
    sal = A_SAL * kn + B_SAL * dn  # [H,T]

    # shared globals: bucketed top-1 per head (T divisible by G_GLOB)
    seg = sal.reshape(H, G_GLOB, Tv // G_GLOB)
    g_idx = jnp.argmax(seg, axis=-1).astype(jnp.int32) + (jnp.arange(G_GLOB, dtype=jnp.int32) * (Tv // G_GLOB))[None, :]  # [H,G]

    # shared teleports: evenly spaced quantile anchors (endpoints excluded)
    tele = jnp.round(jnp.linspace(0.0, Tv - 1.0, T_TELE + 2)[1:-1]).astype(jnp.int32)  # [t]

    # local window indices + positional prior
    tpos = jnp.arange(Tv, dtype=jnp.int32)
    starts = jnp.clip(tpos - FW // 2, 0, Tv - FW)
    idx_win = starts[:, None] + jnp.arange(FW, dtype=jnp.int32)[None, :]  # [T,FW]
    dist_w = jnp.abs(idx_win - tpos[:, None]).astype(jnp.float32)
    bias_w = -ALPHA * dist_w / TAU  # alpha * log(exp(-dist/tau))

    # gather windowed keys and score
    Kw = k[:, idx_win, :]  # [BH,T,FW,D]
    sw = jnp.einsum('btd,btfd->btf', q, Kw) * scale + bias_w[None, :, :]
    kk = int(min(MAX_K, max(MIN_K, int(round(R_T * FW)))))
    _, top_pos = jax.lax.top_k(sw, kk)  # [BH,T,kk]
    top_abs = jnp.take_along_axis(jnp.broadcast_to(idx_win[None, :, :], (Bv * H, Tv, FW)), top_pos, axis=2)

    # extras: per-head globals + teleports + CLS + EOS, shared across batch
    extras_h = jnp.concatenate([
        g_idx,
        jnp.broadcast_to(tele[None, :], (H, T_TELE)),
        jnp.zeros((H, 1), jnp.int32),
        jnp.full((H, 1), Tv - 1, jnp.int32),
    ], axis=1)  # [H,Ex]
    Ex = G_GLOB + T_TELE + 2
    extras = jnp.tile(extras_h, (Bv, 1))  # [B*H,Ex], bh = b*H + h
    cand = jnp.concatenate([
        top_abs.astype(jnp.int32),
        jnp.broadcast_to(extras[:, None, :], (Bv * H, Tv, Ex)),
    ], axis=2)  # [BH,T,M]

    gather = jax.vmap(lambda mat, idx: mat[idx])  # [T,D],[T,M] -> [T,M,D]
    Kc = gather(k, cand)
    Vc = gather(v, cand)

    dist_c = jnp.abs(cand - tpos[None, :, None]).astype(jnp.float32)
    sc = jnp.einsum('btd,btmd->btm', q, Kc) * scale - ALPHA * dist_c / TAU
    attn = jax.nn.softmax(sc, axis=-1)
    out = jnp.einsum('btm,btmd->btd', attn, Vc)
    return out.reshape(Bv, H, Tv, D).transpose(0, 2, 1, 3).reshape(Bv, Tv, H * D)


def reference(hidden_states, Wq, bq, Wk, bk, Wv, bv):
    return _forward(hidden_states, Wq, bq, Wk, bk, Wv, bv)

if __name__ == "__main__":
    import jax
    _d = setup_inputs()
    print(jax.jit(kernel)(*tuple(_d.values())))

</pallas_src>

<mosaic_0001>
#map = affine_map<(d0, d1) -> (0)>
#map1 = affine_map<(d0, d1) -> (0, 0)>
module attributes {stable_mosaic.version = 14 : i64} {
  func.func @_route_sc(%arg0: i32, %arg1: i32, %arg2: memref<24576xf32, #tpu.memory_space<hbm>>, %arg3: memref<48x16xi32, #tpu.memory_space<hbm>>, %arg4: memref<512xf32, #tpu.memory_space<vmem>>, %arg5: memref<16xi32, #tpu.memory_space<vmem>>) attributes {dimension_semantics = [#tpu.dimension_semantics<core_parallel>, #tpu.dimension_semantics<subcore_parallel>], iteration_bounds = array<i64: 2, 16>, scalar_prefetch = 0 : i64, scratch_operands = 2 : i64, tpu.core_type = #tpu.core_type<sc_vector_subcore>, window_params = [{transform_indices = #map}, {transform_indices = #map1}]} {
    %mul3A = arith.constant 2 : i32
    %mul3A_0 = arith.muli %arg1, %mul3A : i32
    %add3A = arith.addi %mul3A_0, %arg0 : i32
    %iota3A = tpu.iota {dimensions = array<i32: 0>} : vector<16xi32>
    %add3A_1 = arith.constant 0 : i32
    %add3A_2 = arith.addi %add3A, %add3A_1 : i32
    %lt3A = arith.constant 48 : i32
    %lt3A_3 = arith.cmpi slt, %add3A_2, %lt3A : i32
    %convert_element_type3A = arith.extui %lt3A_3 : i1 to i32
    %cond3A = arith.constant 0 : i32
    %cond3A_4 = arith.cmpi ne, %convert_element_type3A, %cond3A : i32
    scf.if %cond3A_4 {
      %mul3A_12 = arith.constant 512 : i32
      %mul3A_13 = arith.muli %add3A_2, %mul3A_12 : i32
      "tpu.region"() ({
        %run_scoped3A = tpu.sem_alloc : memref<!tpu.dma_semaphore, #tpu.memory_space<semaphore_mem>>
        %dma_start3A = tpu.memref_slice %arg2[%mul3A_13] : memref<24576xf32, #tpu.memory_space<hbm>> -> memref<512xf32, #tpu.memory_space<hbm>>
        %dma_start3A_381 = tpu.memref_slice %arg2[%mul3A_13] : memref<24576xf32, #tpu.memory_space<hbm>> -> memref<512xf32, #tpu.memory_space<hbm>>
        tpu.enqueue_dma source(%dma_start3A_381 : memref<512xf32, #tpu.memory_space<hbm>>) target(%arg4 : memref<512xf32, #tpu.memory_space<vmem>>) target_semaphore(%run_scoped3A : memref<!tpu.dma_semaphore, #tpu.memory_space<semaphore_mem>>)
        %dma_wait3A = tpu.memref_slice %arg2[%mul3A_13] : memref<24576xf32, #tpu.memory_space<hbm>> -> memref<512xf32, #tpu.memory_space<hbm>>
        %dma_wait3A_382 = tpu.memref_slice %arg2[%mul3A_13] : memref<24576xf32, #tpu.memory_space<hbm>> -> memref<512xf32, #tpu.memory_space<hbm>>
        tpu.wait_dma2 semaphore(%run_scoped3A : memref<!tpu.dma_semaphore, #tpu.memory_space<semaphore_mem>>) src(%dma_wait3A_382 : memref<512xf32, #tpu.memory_space<hbm>>) dst(%arg4 : memref<512xf32, #tpu.memory_space<vmem>>)
        tpu.yield
      }) : () -> ()
      %broadcast_in_dim3A = arith.constant 0xFF800000 : f32
      %broadcast_in_dim3A_14 = vector.broadcast %broadcast_in_dim3A : f32 to vector<16xf32>
      %broadcast_in_dim3A_15 = arith.constant 0 : i32
      %broadcast_in_dim3A_16 = vector.broadcast %broadcast_in_dim3A_15 : i32 to vector<16xi32>
      %get3A = arith.constant 0 : index
      %get3A_17 = tpu.vector_load %arg4[%get3A] {strides = array<i32>} : memref<512xf32, #tpu.memory_space<vmem>>, vector<16xf32>,
      %get3A_18 = vector.shape_cast %get3A_17 : vector<16xf32> to vector<16xf32>
      %add3A_19 = arith.constant 0 : i32
      %add3A_20 = vector.broadcast %add3A_19 : i32 to vector<16xi32>
      %add3A_21 = arith.addi %iota3A, %add3A_20 : vector<16xi32>
      %gt3A = arith.cmpf ogt, %get3A_18, %broadcast_in_dim3A_14 : vector<16xf32>
      %select_n3A = arith.select %gt3A, %get3A_18, %broadcast_in_dim3A_14 : vector<16xi1>, vector<16xf32>
      %select_n3A_22 = arith.select %gt3A, %add3A_21, %broadcast_in_dim3A_16 : vector<16xi1>, vector<16xi32>
      %get3A_23 = arith.constant 16 : index
      %get3A_24 = tpu.vector_load %arg4[%get3A_23] {strides = array<i32>} : memref<512xf32, #tpu.memory_space<vmem>>, vector<16xf32>,
      %get3A_25 = vector.shape_cast %get3A_24 : vector<16xf32> to vector<16xf32>
      %add3A_26 = arith.constant 16 : i32
      %add3A_27 = vector.broadcast %add3A_26 : i32 to vector<16xi32>
      %add3A_28 = arith.addi %iota3A, %add3A_27 : vector<16xi32>
      %gt3A_29 = arith.cmpf ogt, %get3A_25, %select_n3A : vector<16xf32>
      %select_n3A_30 = arith.select %gt3A_29, %get3A_25, %select_n3A : vector<16xi1>, vector<16xf32>
      %select_n3A_31 = arith.select %gt3A_29, %add3A_28, %select_n3A_22 : vector<16xi1>, vector<16xi32>
      %get3A_32 = arith.constant 32 : index
      %get3A_33 = tpu.vector_load %arg4[%get3A_32] {strides = array<i32>} : memref<512xf32, #tpu.memory_space<vmem>>, vector<16xf32>,
      %get3A_34 = vector.shape_cast %get3A_33 : vector<16xf32> to vector<16xf32>
      %add3A_35 = arith.constant 32 : i32
      %add3A_36 = vector.broadcast %add3A_35 : i32 to vector<16xi32>
      %add3A_37 = arith.addi %iota3A, %add3A_36 : vector<16xi32>
      %gt3A_38 = arith.cmpf ogt, %get3A_34, %select_n3A_30 : vector<16xf32>
      %select_n3A_39 = arith.select %gt3A_38, %get3A_34, %select_n3A_30 : vector<16xi1>, vector<16xf32>
      %select_n3A_40 = arith.select %gt3A_38, %add3A_37, %select_n3A_31 : vector<16xi1>, vector<16xi32>
      %get3A_41 = arith.constant 48 : index
      %get3A_42 = tpu.vector_load %arg4[%get3A_41] {strides = array<i32>} : memref<512xf32, #tpu.memory_space<vmem>>, vector<16xf32>,
      %get3A_43 = vector.shape_cast %get3A_42 : vector<16xf32> to vector<16xf32>
      %add3A_44 = arith.constant 48 : i32
      %add3A_45 = vector.broadcast %add3A_44 : i32 to vector<16xi32>
      %add3A_46 = arith.addi %iota3A, %add3A_45 : vector<16xi32>
      %gt3A_47 = arith.cmpf ogt, %get3A_43, %select_n3A_39 : vector<16xf32>
      %select_n3A_48 = arith.select %gt3A_47, %get3A_43, %select_n3A_39 : vector<16xi1>, vector<16xf32>
      %select_n3A_49 = arith.select %gt3A_47, %add3A_46, %select_n3A_40 : vector<16xi1>, vector<16xi32>
      %get3A_50 = arith.constant 64 : index
      %get3A_51 = tpu.vector_load %arg4[%get3A_50] {strides = array<i32>} : memref<512xf32, #tpu.memory_space<vmem>>, vector<16xf32>,
      %get3A_52 = vector.shape_cast %get3A_51 : vector<16xf32> to vector<16xf32>
      %add3A_53 = arith.constant 64 : i32
      %add3A_54 = vector.broadcast %add3A_53 : i32 to vector<16xi32>
      %add3A_55 = arith.addi %iota3A, %add3A_54 : vector<16xi32>
      %gt3A_56 = arith.cmpf ogt, %get3A_52, %select_n3A_48 : vector<16xf32>
      %select_n3A_57 = arith.select %gt3A_56, %get3A_52, %select_n3A_48 : vector<16xi1>, vector<16xf32>
      %select_n3A_58 = arith.select %gt3A_56, %add3A_55, %select_n3A_49 : vector<16xi1>, vector<16xi32>
      %get3A_59 = arith.constant 80 : index
      %get3A_60 = tpu.vector_load %arg4[%get3A_59] {strides = array<i32>} : memref<512xf32, #tpu.memory_space<vmem>>, vector<16xf32>,
      %get3A_61 = vector.shape_cast %get3A_60 : vector<16xf32> to vector<16xf32>
      %add3A_62 = arith.constant 80 : i32
      %add3A_63 = vector.broadcast %add3A_62 : i32 to vector<16xi32>
      %add3A_64 = arith.addi %iota3A, %add3A_63 : vector<16xi32>
      %gt3A_65 = arith.cmpf ogt, %get3A_61, %select_n3A_57 : vector<16xf32>
      %select_n3A_66 = arith.select %gt3A_65, %get3A_61, %select_n3A_57 : vector<16xi1>, vector<16xf32>
      %select_n3A_67 = arith.select %gt3A_65, %add3A_64, %select_n3A_58 : vector<16xi1>, vector<16xi32>
      %get3A_68 = arith.constant 96 : index
      %get3A_69 = tpu.vector_load %arg4[%get3A_68] {strides = array<i32>} : memref<512xf32, #tpu.memory_space<vmem>>, vector<16xf32>,
      %get3A_70 = vector.shape_cast %get3A_69 : vector<16xf32> to vector<16xf32>
      %add3A_71 = arith.constant 96 : i32
      %add3A_72 = vector.broadcast %add3A_71 : i32 to vector<16xi32>
      %add3A_73 = arith.addi %iota3A, %add3A_72 : vector<16xi32>
      %gt3A_74 = arith.cmpf ogt, %get3A_70, %select_n3A_66 : vector<16xf32>
      %select_n3A_75 = arith.select %gt3A_74, %get3A_70, %select_n3A_66 : vector<16xi1>, vector<16xf32>
      %select_n3A_76 = arith.select %gt3A_74, %add3A_73, %select_n3A_67 : vector<16xi1>, vector<16xi32>
      %get3A_77 = arith.constant 112 : index
      %get3A_78 = tpu.vector_load %arg4[%get3A_77] {strides = array<i32>} : memref<512xf32, #tpu.memory_space<vmem>>, vector<16xf32>,
      %get3A_79 = vector.shape_cast %get3A_78 : vector<16xf32> to vector<16xf32>
      %add3A_80 = arith.constant 112 : i32
      %add3A_81 = vector.broadcast %add3A_80 : i32 to vector<16xi32>
      %add3A_82 = arith.addi %iota3A, %add3A_81 : vector<16xi32>
      %gt3A_83 = arith.cmpf ogt, %get3A_79, %select_n3A_75 : vector<16xf32>
      %select_n3A_84 = arith.select %gt3A_83, %get3A_79, %select_n3A_75 : vector<16xi1>, vector<16xf32>
      %select_n3A_85 = arith.select %gt3A_83, %add3A_82, %select_n3A_76 : vector<16xi1>, vector<16xi32>
      %get3A_86 = arith.constant 128 : index
      %get3A_87 = tpu.vector_load %arg4[%get3A_86] {strides = array<i32>} : memref<512xf32, #tpu.memory_space<vmem>>, vector<16xf32>,
      %get3A_88 = vector.shape_cast %get3A_87 : vector<16xf32> to vector<16xf32>
      %add3A_89 = arith.constant 128 : i32
      %add3A_90 = vector.broadcast %add3A_89 : i32 to vector<16xi32>
      %add3A_91 = arith.addi %iota3A, %add3A_90 : vector<16xi32>
      %gt3A_92 = arith.cmpf ogt, %get3A_88, %select_n3A_84 : vector<16xf32>
      %select_n3A_93 = arith.select %gt3A_92, %get3A_88, %select_n3A_84 : vector<16xi1>, vector<16xf32>
      %select_n3A_94 = arith.select %gt3A_92, %add3A_91, %select_n3A_85 : vector<16xi1>, vector<16xi32>
      %get3A_95 = arith.constant 144 : index
      %get3A_96 = tpu.vector_load %arg4[%get3A_95] {strides = array<i32>} : memref<512xf32, #tpu.memory_space<vmem>>, vector<16xf32>,
      %get3A_97 = vector.shape_cast %get3A_96 : vector<16xf32> to vector<16xf32>
      %add3A_98 = arith.constant 144 : i32
      %add3A_99 = vector.broadcast %add3A_98 : i32 to vector<16xi32>
      %add3A_100 = arith.addi %iota3A, %add3A_99 : vector<16xi32>
      %gt3A_101 = arith.cmpf ogt, %get3A_97, %select_n3A_93 : vector<16xf32>
      %select_n3A_102 = arith.select %gt3A_101, %get3A_97, %select_n3A_93 : vector<16xi1>, vector<16xf32>
      %select_n3A_103 = arith.select %gt3A_101, %add3A_100, %select_n3A_94 : vector<16xi1>, vector<16xi32>
      %get3A_104 = arith.constant 160 : index
      %get3A_105 = tpu.vector_load %arg4[%get3A_104] {strides = array<i32>} : memref<512xf32, #tpu.memory_space<vmem>>, vector<16xf32>,
      %get3A_106 = vector.shape_cast %get3A_105 : vector<16xf32> to vector<16xf32>
      %add3A_107 = arith.constant 160 : i32
      %add3A_108 = vector.broadcast %add3A_107 : i32 to vector<16xi32>
      %add3A_109 = arith.addi %iota3A, %add3A_108 : vector<16xi32>
      %gt3A_110 = arith.cmpf ogt, %get3A_106, %select_n3A_102 : vector<16xf32>
      %select_n3A_111 = arith.select %gt3A_110, %get3A_106, %select_n3A_102 : vector<16xi1>, vector<16xf32>
      %select_n3A_112 = arith.select %gt3A_110, %add3A_109, %select_n3A_103 : vector<16xi1>, vector<16xi32>
      %get3A_113 = arith.constant 176 : index
      %get3A_114 = tpu.vector_load %arg4[%get3A_113] {strides = array<i32>} : memref<512xf32, #tpu.memory_space<vmem>>, vector<16xf32>,
      %get3A_115 = vector.shape_cast %get3A_114 : vector<16xf32> to vector<16xf32>
      %add3A_116 = arith.constant 176 : i32
      %add3A_117 = vector.broadcast %add3A_116 : i32 to vector<16xi32>
      %add3A_118 = arith.addi %iota3A, %add3A_117 : vector<16xi32>
      %gt3A_119 = arith.cmpf ogt, %get3A_115, %select_n3A_111 : vector<16xf32>
      %select_n3A_120 = arith.select %gt3A_119, %get3A_115, %select_n3A_111 : vector<16xi1>, vector<16xf32>
      %select_n3A_121 = arith.select %gt3A_119, %add3A_118, %select_n3A_112 : vector<16xi1>, vector<16xi32>
      %get3A_122 = arith.constant 192 : index
      %get3A_123 = tpu.vector_load %arg4[%get3A_122] {strides = array<i32>} : memref<512xf32, #tpu.memory_space<vmem>>, vector<16xf32>,
      %get3A_124 = vector.shape_cast %get3A_123 : vector<16xf32> to vector<16xf32>
      %add3A_125 = arith.constant 192 : i32
      %add3A_126 = vector.broadcast %add3A_125 : i32 to vector<16xi32>
      %add3A_127 = arith.addi %iota3A, %add3A_126 : vector<16xi32>
      %gt3A_128 = arith.cmpf ogt, %get3A_124, %select_n3A_120 : vector<16xf32>
      %select_n3A_129 = arith.select %gt3A_128, %get3A_124, %select_n3A_120 : vector<16xi1>, vector<16xf32>
      %select_n3A_130 = arith.select %gt3A_128, %add3A_127, %select_n3A_121 : vector<16xi1>, vector<16xi32>
      %get3A_131 = arith.constant 208 : index
      %get3A_132 = tpu.vector_load %arg4[%get3A_131] {strides = array<i32>} : memref<512xf32, #tpu.memory_space<vmem>>, vector<16xf32>,
      %get3A_133 = vector.shape_cast %get3A_132 : vector<16xf32> to vector<16xf32>
      %add3A_134 = arith.constant 208 : i32
      %add3A_135 = vector.broadcast %add3A_134 : i32 to vector<16xi32>
      %add3A_136 = arith.addi %iota3A, %add3A_135 : vector<16xi32>
      %gt3A_137 = arith.cmpf ogt, %get3A_133, %select_n3A_129 : vector<16xf32>
      %select_n3A_138 = arith.select %gt3A_137, %get3A_133, %select_n3A_129 : vector<16xi1>, vector<16xf32>
      %select_n3A_139 = arith.select %gt3A_137, %add3A_136, %select_n3A_130 : vector<16xi1>, vector<16xi32>
      %get3A_140 = arith.constant 224 : index
      %get3A_141 = tpu.vector_load %arg4[%get3A_140] {strides = array<i32>} : memref<512xf32, #tpu.memory_space<vmem>>, vector<16xf32>,
      %get3A_142 = vector.shape_cast %get3A_141 : vector<16xf32> to vector<16xf32>
      %add3A_143 = arith.constant 224 : i32
      %add3A_144 = vector.broadcast %add3A_143 : i32 to vector<16xi32>
      %add3A_145 = arith.addi %iota3A, %add3A_144 : vector<16xi32>
      %gt3A_146 = arith.cmpf ogt, %get3A_142, %select_n3A_138 : vector<16xf32>
      %select_n3A_147 = arith.select %gt3A_146, %get3A_142, %select_n3A_138 : vector<16xi1>, vector<16xf32>
      %select_n3A_148 = arith.select %gt3A_146, %add3A_145, %select_n3A_139 : vector<16xi1>, vector<16xi32>
      %get3A_149 = arith.constant 240 : index
      %get3A_150 = tpu.vector_load %arg4[%get3A_149] {strides = array<i32>} : memref<512xf32, #tpu.memory_space<vmem>>, vector<16xf32>,
      %get3A_151 = vector.shape_cast %get3A_150 : vector<16xf32> to vector<16xf32>
      %add3A_152 = arith.constant 240 : i32
      %add3A_153 = vector.broadcast %add3A_152 : i32 to vector<16xi32>
      %add3A_154 = arith.addi %iota3A, %add3A_153 : vector<16xi32>
      %gt3A_155 = arith.cmpf ogt, %get3A_151, %select_n3A_147 : vector<16xf32>
      %select_n3A_156 = arith.select %gt3A_155, %get3A_151, %select_n3A_147 : vector<16xi1>, vector<16xf32>
      %select_n3A_157 = arith.select %gt3A_155, %add3A_154, %select_n3A_148 : vector<16xi1>, vector<16xi32>
      %get3A_158 = arith.constant 256 : index
      %get3A_159 = tpu.vector_load %arg4[%get3A_158] {strides = array<i32>} : memref<512xf32, #tpu.memory_space<vmem>>, vector<16xf32>,
      %get3A_160 = vector.shape_cast %get3A_159 : vector<16xf32> to vector<16xf32>
      %add3A_161 = arith.constant 256 : i32
      %add3A_162 = vector.broadcast %add3A_161 : i32 to vector<16xi32>
      %add3A_163 = arith.addi %iota3A, %add3A_162 : vector<16xi32>
      %gt3A_164 = arith.cmpf ogt, %get3A_160, %select_n3A_156 : vector<16xf32>
      %select_n3A_165 = arith.select %gt3A_164, %get3A_160, %select_n3A_156 : vector<16xi1>, vector<16xf32>
      %select_n3A_166 = arith.select %gt3A_164, %add3A_163, %select_n3A_157 : vector<16xi1>, vector<16xi32>
      %get3A_167 = arith.constant 272 : index
      %get3A_168 = tpu.vector_load %arg4[%get3A_167] {strides = array<i32>} : memref<512xf32, #tpu.memory_space<vmem>>, vector<16xf32>,
      %get3A_169 = vector.shape_cast %get3A_168 : vector<16xf32> to vector<16xf32>
      %add3A_170 = arith.constant 272 : i32
      %add3A_171 = vector.broadcast %add3A_170 : i32 to vector<16xi32>
      %add3A_172 = arith.addi %iota3A, %add3A_171 : vector<16xi32>
      %gt3A_173 = arith.cmpf ogt, %get3A_169, %select_n3A_165 : vector<16xf32>
      %select_n3A_174 = arith.select %gt3A_173, %get3A_169, %select_n3A_165 : vector<16xi1>, vector<16xf32>
      %select_n3A_175 = arith.select %gt3A_173, %add3A_172, %select_n3A_166 : vector<16xi1>, vector<16xi32>
      %get3A_176 = arith.constant 288 : index
      %get3A_177 = tpu.vector_load %arg4[%get3A_176] {strides = array<i32>} : memref<512xf32, #tpu.memory_space<vmem>>, vector<16xf32>,
      %get3A_178 = vector.shape_cast %get3A_177 : vector<16xf32> to vector<16xf32>
      %add3A_179 = arith.constant 288 : i32
      %add3A_180 = vector.broadcast %add3A_179 : i32 to vector<16xi32>
      %add3A_181 = arith.addi %iota3A, %add3A_180 : vector<16xi32>
      %gt3A_182 = arith.cmpf ogt, %get3A_178, %select_n3A_174 : vector<16xf32>
      %select_n3A_183 = arith.select %gt3A_182, %get3A_178, %select_n3A_174 : vector<16xi1>, vector<16xf32>
      %select_n3A_184 = arith.select %gt3A_182, %add3A_181, %select_n3A_175 : vector<16xi1>, vector<16xi32>
      %get3A_185 = arith.constant 304 : index
      %get3A_186 = tpu.vector_load %arg4[%get3A_185] {strides = array<i32>} : memref<512xf32, #tpu.memory_space<vmem>>, vector<16xf32>,
      %get3A_187 = vector.shape_cast %get3A_186 : vector<16xf32> to vector<16xf32>
      %add3A_188 = arith.constant 304 : i32
      %add3A_189 = vector.broadcast %add3A_188 : i32 to vector<16xi32>
      %add3A_190 = arith.addi %iota3A, %add3A_189 : vector<16xi32>
      %gt3A_191 = arith.cmpf ogt, %get3A_187, %select_n3A_183 : vector<16xf32>
      %select_n3A_192 = arith.select %gt3A_191, %get3A_187, %select_n3A_183 : vector<16xi1>, vector<16xf32>
      %select_n3A_193 = arith.select %gt3A_191, %add3A_190, %select_n3A_184 : vector<16xi1>, vector<16xi32>
      %get3A_194 = arith.constant 320 : index
      %get3A_195 = tpu.vector_load %arg4[%get3A_194] {strides = array<i32>} : memref<512xf32, #tpu.memory_space<vmem>>, vector<16xf32>,
      %get3A_196 = vector.shape_cast %get3A_195 : vector<16xf32> to vector<16xf32>
      %add3A_197 = arith.constant 320 : i32
      %add3A_198 = vector.broadcast %add3A_197 : i32 to vector<16xi32>
      %add3A_199 = arith.addi %iota3A, %add3A_198 : vector<16xi32>
      %gt3A_200 = arith.cmpf ogt, %get3A_196, %select_n3A_192 : vector<16xf32>
      %select_n3A_201 = arith.select %gt3A_200, %get3A_196, %select_n3A_192 : vector<16xi1>, vector<16xf32>
      %select_n3A_202 = arith.select %gt3A_200, %add3A_199, %select_n3A_193 : vector<16xi1>, vector<16xi32>
      %get3A_203 = arith.constant 336 : index
      %get3A_204 = tpu.vector_load %arg4[%get3A_203] {strides = array<i32>} : memref<512xf32, #tpu.memory_space<vmem>>, vector<16xf32>,
      %get3A_205 = vector.shape_cast %get3A_204 : vector<16xf32> to vector<16xf32>
      %add3A_206 = arith.constant 336 : i32
      %add3A_207 = vector.broadcast %add3A_206 : i32 to vector<16xi32>
      %add3A_208 = arith.addi %iota3A, %add3A_207 : vector<16xi32>
      %gt3A_209 = arith.cmpf ogt, %get3A_205, %select_n3A_201 : vector<16xf32>
      %select_n3A_210 = arith.select %gt3A_209, %get3A_205, %select_n3A_201 : vector<16xi1>, vector<16xf32>
      %select_n3A_211 = arith.select %gt3A_209, %add3A_208, %select_n3A_202 : vector<16xi1>, vector<16xi32>
      %get3A_212 = arith.constant 352 : index
      %get3A_213 = tpu.vector_load %arg4[%get3A_212] {strides = array<i32>} : memref<512xf32, #tpu.memory_space<vmem>>, vector<16xf32>,
      %get3A_214 = vector.shape_cast %get3A_213 : vector<16xf32> to vector<16xf32>
      %add3A_215 = arith.constant 352 : i32
      %add3A_216 = vector.broadcast %add3A_215 : i32 to vector<16xi32>
      %add3A_217 = arith.addi %iota3A, %add3A_216 : vector<16xi32>
      %gt3A_218 = arith.cmpf ogt, %get3A_214, %select_n3A_210 : vector<16xf32>
      %select_n3A_219 = arith.select %gt3A_218, %get3A_214, %select_n3A_210 : vector<16xi1>, vector<16xf32>
      %select_n3A_220 = arith.select %gt3A_218, %add3A_217, %select_n3A_211 : vector<16xi1>, vector<16xi32>
      %get3A_221 = arith.constant 368 : index
      %get3A_222 = tpu.vector_load %arg4[%get3A_221] {strides = array<i32>} : memref<512xf32, #tpu.memory_space<vmem>>, vector<16xf32>,
      %get3A_223 = vector.shape_cast %get3A_222 : vector<16xf32> to vector<16xf32>
      %add3A_224 = arith.constant 368 : i32
      %add3A_225 = vector.broadcast %add3A_224 : i32 to vector<16xi32>
      %add3A_226 = arith.addi %iota3A, %add3A_225 : vector<16xi32>
      %gt3A_227 = arith.cmpf ogt, %get3A_223, %select_n3A_219 : vector<16xf32>
      %select_n3A_228 = arith.select %gt3A_227, %get3A_223, %select_n3A_219 : vector<16xi1>, vector<16xf32>
      %select_n3A_229 = arith.select %gt3A_227, %add3A_226, %select_n3A_220 : vector<16xi1>, vector<16xi32>
      %get3A_230 = arith.constant 384 : index
      %get3A_231 = tpu.vector_load %arg4[%get3A_230] {strides = array<i32>} : memref<512xf32, #tpu.memory_space<vmem>>, vector<16xf32>,
      %get3A_232 = vector.shape_cast %get3A_231 : vector<16xf32> to vector<16xf32>
      %add3A_233 = arith.constant 384 : i32
      %add3A_234 = vector.broadcast %add3A_233 : i32 to vector<16xi32>
      %add3A_235 = arith.addi %iota3A, %add3A_234 : vector<16xi32>
      %gt3A_236 = arith.cmpf ogt, %get3A_232, %select_n3A_228 : vector<16xf32>
      %select_n3A_237 = arith.select %gt3A_236, %get3A_232, %select_n3A_228 : vector<16xi1>, vector<16xf32>
      %select_n3A_238 = arith.select %gt3A_236, %add3A_235, %select_n3A_229 : vector<16xi1>, vector<16xi32>
      %get3A_239 = arith.constant 400 : index
      %get3A_240 = tpu.vector_load %arg4[%get3A_239] {strides = array<i32>} : memref<512xf32, #tpu.memory_space<vmem>>, vector<16xf32>,
      %get3A_241 = vector.shape_cast %get3A_240 : vector<16xf32> to vector<16xf32>
      %add3A_242 = arith.constant 400 : i32
      %add3A_243 = vector.broadcast %add3A_242 : i32 to vector<16xi32>
      %add3A_244 = arith.addi %iota3A, %add3A_243 : vector<16xi32>
      %gt3A_245 = arith.cmpf ogt, %get3A_241, %select_n3A_237 : vector<16xf32>
      %select_n3A_246 = arith.select %gt3A_245, %get3A_241, %select_n3A_237 : vector<16xi1>, vector<16xf32>
      %select_n3A_247 = arith.select %gt3A_245, %add3A_244, %select_n3A_238 : vector<16xi1>, vector<16xi32>
      %get3A_248 = arith.constant 416 : index
      %get3A_249 = tpu.vector_load %arg4[%get3A_248] {strides = array<i32>} : memref<512xf32, #tpu.memory_space<vmem>>, vector<16xf32>,
      %get3A_250 = vector.shape_cast %get3A_249 : vector<16xf32> to vector<16xf32>
      %add3A_251 = arith.constant 416 : i32
      %add3A_252 = vector.broadcast %add3A_251 : i32 to vector<16xi32>
      %add3A_253 = arith.addi %iota3A, %add3A_252 : vector<16xi32>
      %gt3A_254 = arith.cmpf ogt, %get3A_250, %select_n3A_246 : vector<16xf32>
      %select_n3A_255 = arith.select %gt3A_254, %get3A_250, %select_n3A_246 : vector<16xi1>, vector<16xf32>
      %select_n3A_256 = arith.select %gt3A_254, %add3A_253, %select_n3A_247 : vector<16xi1>, vector<16xi32>
      %get3A_257 = arith.constant 432 : index
      %get3A_258 = tpu.vector_load %arg4[%get3A_257] {strides = array<i32>} : memref<512xf32, #tpu.memory_space<vmem>>, vector<16xf32>,
      %get3A_259 = vector.shape_cast %get3A_258 : vector<16xf32> to vector<16xf32>
      %add3A_260 = arith.constant 432 : i32
      %add3A_261 = vector.broadcast %add3A_260 : i32 to vector<16xi32>
      %add3A_262 = arith.addi %iota3A, %add3A_261 : vector<16xi32>
      %gt3A_263 = arith.cmpf ogt, %get3A_259, %select_n3A_255 : vector<16xf32>
      %select_n3A_264 = arith.select %gt3A_263, %get3A_259, %select_n3A_255 : vector<16xi1>, vector<16xf32>
      %select_n3A_265 = arith.select %gt3A_263, %add3A_262, %select_n3A_256 : vector<16xi1>, vector<16xi32>
      %get3A_266 = arith.constant 448 : index
      %get3A_267 = tpu.vector_load %arg4[%get3A_266] {strides = array<i32>} : memref<512xf32, #tpu.memory_space<vmem>>, vector<16xf32>,
      %get3A_268 = vector.shape_cast %get3A_267 : vector<16xf32> to vector<16xf32>
      %add3A_269 = arith.constant 448 : i32
      %add3A_270 = vector.broadcast %add3A_269 : i32 to vector<16xi32>
      %add3A_271 = arith.addi %iota3A, %add3A_270 : vector<16xi32>
      %gt3A_272 = arith.cmpf ogt, %get3A_268, %select_n3A_264 : vector<16xf32>
      %select_n3A_273 = arith.select %gt3A_272, %get3A_268, %select_n3A_264 : vector<16xi1>, vector<16xf32>
      %select_n3A_274 = arith.select %gt3A_272, %add3A_271, %select_n3A_265 : vector<16xi1>, vector<16xi32>
      %get3A_275 = arith.constant 464 : index
      %get3A_276 = tpu.vector_load %arg4[%get3A_275] {strides = array<i32>} : memref<512xf32, #tpu.memory_space<vmem>>, vector<16xf32>,
      %get3A_277 = vector.shape_cast %get3A_276 : vector<16xf32> to vector<16xf32>
      %add3A_278 = arith.constant 464 : i32
      %add3A_279 = vector.broadcast %add3A_278 : i32 to vector<16xi32>
      %add3A_280 = arith.addi %iota3A, %add3A_279 : vector<16xi32>
      %gt3A_281 = arith.cmpf ogt, %get3A_277, %select_n3A_273 : vector<16xf32>
      %select_n3A_282 = arith.select %gt3A_281, %get3A_277, %select_n3A_273 : vector<16xi1>, vector<16xf32>
      %select_n3A_283 = arith.select %gt3A_281, %add3A_280, %select_n3A_274 : vector<16xi1>, vector<16xi32>
      %get3A_284 = arith.constant 480 : index
      %get3A_285 = tpu.vector_load %arg4[%get3A_284] {strides = array<i32>} : memref<512xf32, #tpu.memory_space<vmem>>, vector<16xf32>,
      %get3A_286 = vector.shape_cast %get3A_285 : vector<16xf32> to vector<16xf32>
      %add3A_287 = arith.constant 480 : i32
      %add3A_288 = vector.broadcast %add3A_287 : i32 to vector<16xi32>
      %add3A_289 = arith.addi %iota3A, %add3A_288 : vector<16xi32>
      %gt3A_290 = arith.cmpf ogt, %get3A_286, %select_n3A_282 : vector<16xf32>
      %select_n3A_291 = arith.select %gt3A_290, %get3A_286, %select_n3A_282 : vector<16xi1>, vector<16xf32>
      %select_n3A_292 = arith.select %gt3A_290, %add3A_289, %select_n3A_283 : vector<16xi1>, vector<16xi32>
      %get3A_293 = arith.constant 496 : index
      %get3A_294 = tpu.vector_load %arg4[%get3A_293] {strides = array<i32>} : memref<512xf32, #tpu.memory_space<vmem>>, vector<16xf32>,
      %get3A_295 = vector.shape_cast %get3A_294 : vector<16xf32> to vector<16xf32>
      %add3A_296 = arith.constant 496 : i32
      %add3A_297 = vector.broadcast %add3A_296 : i32 to vector<16xi32>
      %add3A_298 = arith.addi %iota3A, %add3A_297 : vector<16xi32>
      %gt3A_299 = arith.cmpf ogt, %get3A_295, %select_n3A_291 : vector<16xf32>
      %select_n3A_300 = arith.select %gt3A_299, %get3A_295, %select_n3A_291 : vector<16xi1>, vector<16xf32>
      %select_n3A_301 = arith.select %gt3A_299, %add3A_298, %select_n3A_292 : vector<16xi1>, vector<16xi32>
      %xor3A = arith.constant 8 : i32
      %xor3A_302 = vector.broadcast %xor3A : i32 to vector<16xi32>
      %xor3A_303 = arith.xori %iota3A, %xor3A_302 : vector<16xi32>
      %broadcast_in_dim3A_304 = vector.shape_cast %xor3A_303 : vector<16xi32> to vector<16x1xi32>
      %gather3A = vector.shape_cast %broadcast_in_dim3A_304 : vector<16x1xi32> to vector<16xi32>
      %gather3A_305 = tpu.dynamic_gather %select_n3A_300[%gather3A] in [0] : vector<16xf32>, vector<16xi32> -> vector<16xf32>
      %broadcast_in_dim3A_306 = vector.shape_cast %xor3A_303 : vector<16xi32> to vector<16x1xi32>
      %gather3A_307 = vector.shape_cast %broadcast_in_dim3A_306 : vector<16x1xi32> to vector<16xi32>
      %gather3A_308 = tpu.dynamic_gather %select_n3A_301[%gather3A_307] in [0] : vector<16xi32>, vector<16xi32> -> vector<16xi32>
      %gt3A_309 = arith.cmpf ogt, %gather3A_305, %select_n3A_300 : vector<16xf32>
      %eq3A = arith.cmpf oeq, %gather3A_305, %select_n3A_300 : vector<16xf32>
      %lt3A_310 = arith.cmpi slt, %gather3A_308, %select_n3A_301 : vector<16xi32>
      %and3A = arith.andi %eq3A, %lt3A_310 : vector<16xi1>
      %or3A = arith.ori %gt3A_309, %and3A : vector<16xi1>
      %select_n3A_311 = arith.select %or3A, %gather3A_305, %select_n3A_300 : vector<16xi1>, vector<16xf32>
      %select_n3A_312 = arith.select %or3A, %gather3A_308, %select_n3A_301 : vector<16xi1>, vector<16xi32>
      %xor3A_313 = arith.constant 4 : i32
      %xor3A_314 = vector.broadcast %xor3A_313 : i32 to vector<16xi32>
      %xor3A_315 = arith.xori %iota3A, %xor3A_314 : vector<16xi32>
      %broadcast_in_dim3A_316 = vector.shape_cast %xor3A_315 : vector<16xi32> to vector<16x1xi32>
      %gather3A_317 = vector.shape_cast %broadcast_in_dim3A_316 : vector<16x1xi32> to vector<16xi32>
      %gather3A_318 = tpu.dynamic_gather %select_n3A_311[%gather3A_317] in [0] : vector<16xf32>, vector<16xi32> -> vector<16xf32>
      %broadcast_in_dim3A_319 = vector.shape_cast %xor3A_315 : vector<16xi32> to vector<16x1xi32>
      %gather3A_320 = vector.shape_cast %broadcast_in_dim3A_319 : vector<16x1xi32> to vector<16xi32>
      %gather3A_321 = tpu.dynamic_gather %select_n3A_312[%gather3A_320] in [0] : vector<16xi32>, vector<16xi32> -> vector<16xi32>
      %gt3A_322 = arith.cmpf ogt, %gather3A_318, %select_n3A_311 : vector<16xf32>
      %eq3A_323 = arith.cmpf oeq, %gather3A_318, %select_n3A_311 : vector<16xf32>
      %lt3A_324 = arith.cmpi slt, %gather3A_321, %select_n3A_312 : vector<16xi32>
      %and3A_325 = arith.andi %eq3A_323, %lt3A_324 : vector<16xi1>
      %or3A_326 = arith.ori %gt3A_322, %and3A_325 : vector<16xi1>
      %select_n3A_327 = arith.select %or3A_326, %gather3A_318, %select_n3A_311 : vector<16xi1>, vector<16xf32>
      %select_n3A_328 = arith.select %or3A_326, %gather3A_321, %select_n3A_312 : vector<16xi1>, vector<16xi32>
      %xor3A_329 = arith.constant 2 : i32
      %xor3A_330 = vector.broadcast %xor3A_329 : i32 to vector<16xi32>
      %xor3A_331 = arith.xori %iota3A, %xor3A_330 : vector<16xi32>
      %broadcast_in_dim3A_332 = vector.shape_cast %xor3A_331 : vector<16xi32> to vector<16x1xi32>
      %gather3A_333 = vector.shape_cast %broadcast_in_dim3A_332 : vector<16x1xi32> to vector<16xi32>
      %gather3A_334 = tpu.dynamic_gather %select_n3A_327[%gather3A_333] in [0] : vector<16xf32>, vector<16xi32> -> vector<16xf32>
      %broadcast_in_dim3A_335 = vector.shape_cast %xor3A_331 : vector<16xi32> to vector<16x1xi32>
      %gather3A_336 = vector.shape_cast %broadcast_in_dim3A_335 : vector<16x1xi32> to vector<16xi32>
      %gather3A_337 = tpu.dynamic_gather %select_n3A_328[%gather3A_336] in [0] : vector<16xi32>, vector<16xi32> -> vector<16xi32>
      %gt3A_338 = arith.cmpf ogt, %gather3A_334, %select_n3A_327 : vector<16xf32>
      %eq3A_339 = arith.cmpf oeq, %gather3A_334, %select_n3A_327 : vector<16xf32>
      %lt3A_340 = arith.cmpi slt, %gather3A_337, %select_n3A_328 : vector<16xi32>
      %and3A_341 = arith.andi %eq3A_339, %lt3A_340 : vector<16xi1>
      %or3A_342 = arith.ori %gt3A_338, %and3A_341 : vector<16xi1>
      %select_n3A_343 = arith.select %or3A_342, %gather3A_334, %select_n3A_327 : vector<16xi1>, vector<16xf32>
      %select_n3A_344 = arith.select %or3A_342, %gather3A_337, %select_n3A_328 : vector<16xi1>, vector<16xi32>
      %xor3A_345 = arith.constant 1 : i32
      %xor3A_346 = vector.broadcast %xor3A_345 : i32 to vector<16xi32>
      %xor3A_347 = arith.xori %iota3A, %xor3A_346 : vector<16xi32>
      %broadcast_in_dim3A_348 = vector.shape_cast %xor3A_347 : vector<16xi32> to vector<16x1xi32>
      %gather3A_349 = vector.shape_cast %broadcast_in_dim3A_348 : vector<16x1xi32> to vector<16xi32>
      %gather3A_350 = tpu.dynamic_gather %select_n3A_343[%gather3A_349] in [0] : vector<16xf32>, vector<16xi32> -> vector<16xf32>
      %broadcast_in_dim3A_351 = vector.shape_cast %xor3A_347 : vector<16xi32> to vector<16x1xi32>
      %gather3A_352 = vector.shape_cast %broadcast_in_dim3A_351 : vector<16x1xi32> to vector<16xi32>
      %gather3A_353 = tpu.dynamic_gather %select_n3A_344[%gather3A_352] in [0] : vector<16xi32>, vector<16xi32> -> vector<16xi32>
      %gt3A_354 = arith.cmpf ogt, %gather3A_350, %select_n3A_343 : vector<16xf32>
      %eq3A_355 = arith.cmpf oeq, %gather3A_350, %select_n3A_343 : vector<16xf32>
      %lt3A_356 = arith.cmpi slt, %gather3A_353, %select_n3A_344 : vector<16xi32>
      %and3A_357 = arith.andi %eq3A_355, %lt3A_356 : vector<16xi1>
      %or3A_358 = arith.ori %gt3A_354, %and3A_357 : vector<16xi1>
      %select_n3A_359 = arith.select %or3A_358, %gather3A_350, %select_n3A_343 : vector<16xi1>, vector<16xf32>
      %select_n3A_360 = arith.select %or3A_358, %gather3A_353, %select_n3A_344 : vector<16xi1>, vector<16xi32>
      %jit3A = arith.constant 4 : i32
      %eq3A_361 = arith.constant 0 : i32
      %eq3A_362 = arith.cmpi eq, %jit3A, %eq3A_361 : i32
      %jit3A_363 = arith.constant 1 : i32
      %select_n3A_364 = arith.select %eq3A_362, %jit3A_363, %jit3A : i32
      %rem3A = arith.remsi %add3A_2, %select_n3A_364 : i32
      %ne3A = arith.constant 0 : i32
      %ne3A_365 = arith.cmpi ne, %rem3A, %ne3A : i32
      %lt3A_366 = arith.constant 0 : i32
      %lt3A_367 = arith.cmpi slt, %rem3A, %lt3A_366 : i32
      %lt3A_368 = arith.constant 0 : i32
      %lt3A_369 = arith.cmpi slt, %select_n3A_364, %lt3A_368 : i32
      %ne3A_370 = arith.xori %lt3A_367, %lt3A_369 : i1
      %and3A_371 = arith.andi %ne3A_370, %ne3A_365 : i1
      %add3A_372 = arith.addi %rem3A, %select_n3A_364 : i32
      %select_n3A_373 = arith.select %and3A_371, %add3A_372, %rem3A : i32
      %mul3A_374 = arith.constant 512 : i32
      %mul3A_375 = arith.muli %select_n3A_373, %mul3A_374 : i32
      %add3A_376 = vector.broadcast %mul3A_375 : i32 to vector<16xi32>
      %add3A_377 = arith.addi %select_n3A_360, %add3A_376 : vector<16xi32>
      %swap3A = arith.constant 0 : index
      %swap3A_378 = tpu.vector_load %arg5[%swap3A] {strides = array<i32>} : memref<16xi32, #tpu.memory_space<vmem>>, vector<16xi32>,
      %swap3A_379 = vector.shape_cast %swap3A_378 : vector<16xi32> to vector<16xi32>
      %swap3A_380 = vector.shape_cast %add3A_377 : vector<16xi32> to vector<16xi32>
      tpu.vector_store %arg5[%swap3A], %swap3A_380 {strides = array<i32>} : memref<16xi32, #tpu.memory_space<vmem>>, vector<16xi32>,
      "tpu.region"() ({
        %run_scoped3A = tpu.sem_alloc : memref<!tpu.dma_semaphore, #tpu.memory_space<semaphore_mem>>
        %dma_start3A = arith.constant 0 : i32
        %dma_start3A_381 = tpu.memref_slice %arg3[%add3A_2, %dma_start3A] : memref<48x16xi32, #tpu.memory_space<hbm>> -> memref<1x16xi32, #tpu.memory_space<hbm>>
        %dma_start3A_382 = tpu.memref_squeeze %dma_start3A_381 : memref<1x16xi32, #tpu.memory_space<hbm>> -> memref<16xi32, #tpu.memory_space<hbm>>
        %dma_start3A_383 = arith.constant 0 : i32
        %dma_start3A_384 = tpu.memref_slice %arg3[%add3A_2, %dma_start3A_383] : memref<48x16xi32, #tpu.memory_space<hbm>> -> memref<1x16xi32, #tpu.memory_space<hbm>>
        %dma_start3A_385 = tpu.memref_squeeze %dma_start3A_384 : memref<1x16xi32, #tpu.memory_space<hbm>> -> memref<16xi32, #tpu.memory_space<hbm>>
        tpu.enqueue_dma source(%arg5 : memref<16xi32, #tpu.memory_space<vmem>>) target(%dma_start3A_385 : memref<16xi32, #tpu.memory_space<hbm>>) target_semaphore(%run_scoped3A : memref<!tpu.dma_semaphore, #tpu.memory_space<semaphore_mem>>)
        %dma_wait3A = arith.constant 0 : i32
        %dma_wait3A_386 = tpu.memref_slice %arg3[%add3A_2, %dma_wait3A] : memref<48x16xi32, #tpu.memory_space<hbm>> -> memref<1x16xi32, #tpu.memory_space<hbm>>
        %dma_wait3A_387 = tpu.memref_squeeze %dma_wait3A_386 : memref<1x16xi32, #tpu.memory_space<hbm>> -> memref<16xi32, #tpu.memory_space<hbm>>
        %dma_wait3A_388 = arith.constant 0 : i32
        %dma_wait3A_389 = tpu.memref_slice %arg3[%add3A_2, %dma_wait3A_388] : memref<48x16xi32, #tpu.memory_space<hbm>> -> memref<1x16xi32, #tpu.memory_space<hbm>>
        %dma_wait3A_390 = tpu.memref_squeeze %dma_wait3A_389 : memref<1x16xi32, #tpu.memory_space<hbm>> -> memref<16xi32, #tpu.memory_space<hbm>>
        tpu.wait_dma2 semaphore(%run_scoped3A : memref<!tpu.dma_semaphore, #tpu.memory_space<semaphore_mem>>) src(%arg5 : memref<16xi32, #tpu.memory_space<vmem>>) dst(%dma_wait3A_390 : memref<16xi32, #tpu.memory_space<hbm>>)
        tpu.yield
      }) : () -> ()
    } else {
    }
    %add3A_5 = arith.constant 32 : i32
    %add3A_6 = arith.addi %add3A, %add3A_5 : i32
    %lt3A_7 = arith.constant 48 : i32
    %lt3A_8 = arith.cmpi slt, %add3A_6, %lt3A_7 : i32
    %convert_element_type3A_9 = arith.extui %lt3A_8 : i1 to i32
    %cond3A_10 = arith.constant 0 : i32
    %cond3A_11 = arith.cmpi ne, %convert_element_type3A_9, %cond3A_10 : i32
    scf.if %cond3A_11 {
      %mul3A_12 = arith.constant 512 : i32
      %mul3A_13 = arith.muli %add3A_6, %mul3A_12 : i32
      "tpu.region"() ({
        %run_scoped3A = tpu.sem_alloc : memref<!tpu.dma_semaphore, #tpu.memory_space<semaphore_mem>>
        %dma_start3A = tpu.memref_slice %arg2[%mul3A_13] : memref<24576xf32, #tpu.memory_space<hbm>> -> memref<512xf32, #tpu.memory_space<hbm>>
        %dma_start3A_381 = tpu.memref_slice %arg2[%mul3A_13] : memref<24576xf32, #tpu.memory_space<hbm>> -> memref<512xf32, #tpu.memory_space<hbm>>
        tpu.enqueue_dma source(%dma_start3A_381 : memref<512xf32, #tpu.memory_space<hbm>>) target(%arg4 : memref<512xf32, #tpu.memory_space<vmem>>) target_semaphore(%run_scoped3A : memref<!tpu.dma_semaphore, #tpu.memory_space<semaphore_mem>>)
        %dma_wait3A = tpu.memref_slice %arg2[%mul3A_13] : memref<24576xf32, #tpu.memory_space<hbm>> -> memref<512xf32, #tpu.memory_space<hbm>>
        %dma_wait3A_382 = tpu.memref_slice %arg2[%mul3A_13] : memref<24576xf32, #tpu.memory_space<hbm>> -> memref<512xf32, #tpu.memory_space<hbm>>
        tpu.wait_dma2 semaphore(%run_scoped3A : memref<!tpu.dma_semaphore, #tpu.memory_space<semaphore_mem>>) src(%dma_wait3A_382 : memref<512xf32, #tpu.memory_space<hbm>>) dst(%arg4 : memref<512xf32, #tpu.memory_space<vmem>>)
        tpu.yield
      }) : () -> ()
      %broadcast_in_dim3A = arith.constant 0xFF800000 : f32
      %broadcast_in_dim3A_14 = vector.broadcast %broadcast_in_dim3A : f32 to vector<16xf32>
      %broadcast_in_dim3A_15 = arith.constant 0 : i32
      %broadcast_in_dim3A_16 = vector.broadcast %broadcast_in_dim3A_15 : i32 to vector<16xi32>
      %get3A = arith.constant 0 : index
      %get3A_17 = tpu.vector_load %arg4[%get3A] {strides = array<i32>} : memref<512xf32, #tpu.memory_space<vmem>>, vector<16xf32>,
      %get3A_18 = vector.shape_cast %get3A_17 : vector<16xf32> to vector<16xf32>
      %add3A_19 = arith.constant 0 : i32
      %add3A_20 = vector.broadcast %add3A_19 : i32 to vector<16xi32>
      %add3A_21 = arith.addi %iota3A, %add3A_20 : vector<16xi32>
      %gt3A = arith.cmpf ogt, %get3A_18, %broadcast_in_dim3A_14 : vector<16xf32>
      %select_n3A = arith.select %gt3A, %get3A_18, %broadcast_in_dim3A_14 : vector<16xi1>, vector<16xf32>
      %select_n3A_22 = arith.select %gt3A, %add3A_21, %broadcast_in_dim3A_16 : vector<16xi1>, vector<16xi32>
      %get3A_23 = arith.constant 16 : index
      %get3A_24 = tpu.vector_load %arg4[%get3A_23] {strides = array<i32>} : memref<512xf32, #tpu.memory_space<vmem>>, vector<16xf32>,
      %get3A_25 = vector.shape_cast %get3A_24 : vector<16xf32> to vector<16xf32>
      %add3A_26 = arith.constant 16 : i32
      %add3A_27 = vector.broadcast %add3A_26 : i32 to vector<16xi32>
      %add3A_28 = arith.addi %iota3A, %add3A_27 : vector<16xi32>
      %gt3A_29 = arith.cmpf ogt, %get3A_25, %select_n3A : vector<16xf32>
      %select_n3A_30 = arith.select %gt3A_29, %get3A_25, %select_n3A : vector<16xi1>, vector<16xf32>
      %select_n3A_31 = arith.select %gt3A_29, %add3A_28, %select_n3A_22 : vector<16xi1>, vector<16xi32>
      %get3A_32 = arith.constant 32 : index
      %get3A_33 = tpu.vector_load %arg4[%get3A_32] {strides = array<i32>} : memref<512xf32, #tpu.memory_space<vmem>>, vector<16xf32>,
      %get3A_34 = vector.shape_cast %get3A_33 : vector<16xf32> to vector<16xf32>
      %add3A_35 = arith.constant 32 : i32
      %add3A_36 = vector.broadcast %add3A_35 : i32 to vector<16xi32>
      %add3A_37 = arith.addi %iota3A, %add3A_36 : vector<16xi32>
      %gt3A_38 = arith.cmpf ogt, %get3A_34, %select_n3A_30 : vector<16xf32>
      %select_n3A_39 = arith.select %gt3A_38, %get3A_34, %select_n3A_30 : vector<16xi1>, vector<16xf32>
      %select_n3A_40 = arith.select %gt3A_38, %add3A_37, %select_n3A_31 : vector<16xi1>, vector<16xi32>
      %get3A_41 = arith.constant 48 : index
      %get3A_42 = tpu.vector_load %arg4[%get3A_41] {strides = array<i32>} : memref<512xf32, #tpu.memory_space<vmem>>, vector<16xf32>,
      %get3A_43 = vector.shape_cast %get3A_42 : vector<16xf32> to vector<16xf32>
      %add3A_44 = arith.constant 48 : i32
      %add3A_45 = vector.broadcast %add3A_44 : i32 to vector<16xi32>
      %add3A_46 = arith.addi %iota3A, %add3A_45 : vector<16xi32>
      %gt3A_47 = arith.cmpf ogt, %get3A_43, %select_n3A_39 : vector<16xf32>
      %select_n3A_48 = arith.select %gt3A_47, %get3A_43, %select_n3A_39 : vector<16xi1>, vector<16xf32>
      %select_n3A_49 = arith.select %gt3A_47, %add3A_46, %select_n3A_40 : vector<16xi1>, vector<16xi32>
      %get3A_50 = arith.constant 64 : index
      %get3A_51 = tpu.vector_load %arg4[%get3A_50] {strides = array<i32>} : memref<512xf32, #tpu.memory_space<vmem>>, vector<16xf32>,
      %get3A_52 = vector.shape_cast %get3A_51 : vector<16xf32> to vector<16xf32>
      %add3A_53 = arith.constant 64 : i32
      %add3A_54 = vector.broadcast %add3A_53 : i32 to vector<16xi32>
      %add3A_55 = arith.addi %iota3A, %add3A_54 : vector<16xi32>
      %gt3A_56 = arith.cmpf ogt, %get3A_52, %select_n3A_48 : vector<16xf32>
      %select_n3A_57 = arith.select %gt3A_56, %get3A_52, %select_n3A_48 : vector<16xi1>, vector<16xf32>
      %select_n3A_58 = arith.select %gt3A_56, %add3A_55, %select_n3A_49 : vector<16xi1>, vector<16xi32>
      %get3A_59 = arith.constant 80 : index
      %get3A_60 = tpu.vector_load %arg4[%get3A_59] {strides = array<i32>} : memref<512xf32, #tpu.memory_space<vmem>>, vector<16xf32>,
      %get3A_61 = vector.shape_cast %get3A_60 : vector<16xf32> to vector<16xf32>
      %add3A_62 = arith.constant 80 : i32
      %add3A_63 = vector.broadcast %add3A_62 : i32 to vector<16xi32>
      %add3A_64 = arith.addi %iota3A, %add3A_63 : vector<16xi32>
      %gt3A_65 = arith.cmpf ogt, %get3A_61, %select_n3A_57 : vector<16xf32>
      %select_n3A_66 = arith.select %gt3A_65, %get3A_61, %select_n3A_57 : vector<16xi1>, vector<16xf32>
      %select_n3A_67 = arith.select %gt3A_65, %add3A_64, %select_n3A_58 : vector<16xi1>, vector<16xi32>
      %get3A_68 = arith.constant 96 : index
      %get3A_69 = tpu.vector_load %arg4[%get3A_68] {strides = array<i32>} : memref<512xf32, #tpu.memory_space<vmem>>, vector<16xf32>,
      %get3A_70 = vector.shape_cast %get3A_69 : vector<16xf32> to vector<16xf32>
      %add3A_71 = arith.constant 96 : i32
      %add3A_72 = vector.broadcast %add3A_71 : i32 to vector<16xi32>
      %add3A_73 = arith.addi %iota3A, %add3A_72 : vector<16xi32>
      %gt3A_74 = arith.cmpf ogt, %get3A_70, %select_n3A_66 : vector<16xf32>
      %select_n3A_75 = arith.select %gt3A_74, %get3A_70, %select_n3A_66 : vector<16xi1>, vector<16xf32>
      %select_n3A_76 = arith.select %gt3A_74, %add3A_73, %select_n3A_67 : vector<16xi1>, vector<16xi32>
      %get3A_77 = arith.constant 112 : index
      %get3A_78 = tpu.vector_load %arg4[%get3A_77] {strides = array<i32>} : memref<512xf32, #tpu.memory_space<vmem>>, vector<16xf32>,
      %get3A_79 = vector.shape_cast %get3A_78 : vector<16xf32> to vector<16xf32>
      %add3A_80 = arith.constant 112 : i32
      %add3A_81 = vector.broadcast %add3A_80 : i32 to vector<16xi32>
      %add3A_82 = arith.addi %iota3A, %add3A_81 : vector<16xi32>
      %gt3A_83 = arith.cmpf ogt, %get3A_79, %select_n3A_75 : vector<16xf32>
      %select_n3A_84 = arith.select %gt3A_83, %get3A_79, %select_n3A_75 : vector<16xi1>, vector<16xf32>
      %select_n3A_85 = arith.select %gt3A_83, %add3A_82, %select_n3A_76 : vector<16xi1>, vector<16xi32>
      %get3A_86 = arith.constant 128 : index
      %get3A_87 = tpu.vector_load %arg4[%get3A_86] {strides = array<i32>} : memref<512xf32, #tpu.memory_space<vmem>>, vector<16xf32>,
      %get3A_88 = vector.shape_cast %get3A_87 : vector<16xf32> to vector<16xf32>
      %add3A_89 = arith.constant 128 : i32
      %add3A_90 = vector.broadcast %add3A_89 : i32 to vector<16xi32>
      %add3A_91 = arith.addi %iota3A, %add3A_90 : vector<16xi32>
      %gt3A_92 = arith.cmpf ogt, %get3A_88, %select_n3A_84 : vector<16xf32>
      %select_n3A_93 = arith.select %gt3A_92, %get3A_88, %select_n3A_84 : vector<16xi1>, vector<16xf32>
      %select_n3A_94 = arith.select %gt3A_92, %add3A_91, %select_n3A_85 : vector<16xi1>, vector<16xi32>
      %get3A_95 = arith.constant 144 : index
      %get3A_96 = tpu.vector_load %arg4[%get3A_95] {strides = array<i32>} : memref<512xf32, #tpu.memory_space<vmem>>, vector<16xf32>,
      %get3A_97 = vector.shape_cast %get3A_96 : vector<16xf32> to vector<16xf32>
      %add3A_98 = arith.constant 144 : i32
      %add3A_99 = vector.broadcast %add3A_98 : i32 to vector<16xi32>
      %add3A_100 = arith.addi %iota3A, %add3A_99 : vector<16xi32>
      %gt3A_101 = arith.cmpf ogt, %get3A_97, %select_n3A_93 : vector<16xf32>
      %select_n3A_102 = arith.select %gt3A_101, %get3A_97, %select_n3A_93 : vector<16xi1>, vector<16xf32>
      %select_n3A_103 = arith.select %gt3A_101, %add3A_100, %select_n3A_94 : vector<16xi1>, vector<16xi32>
      %get3A_104 = arith.constant 160 : index
      %get3A_105 = tpu.vector_load %arg4[%get3A_104] {strides = array<i32>} : memref<512xf32, #tpu.memory_space<vmem>>, vector<16xf32>,
      %get3A_106 = vector.shape_cast %get3A_105 : vector<16xf32> to vector<16xf32>
      %add3A_107 = arith.constant 160 : i32
      %add3A_108 = vector.broadcast %add3A_107 : i32 to vector<16xi32>
      %add3A_109 = arith.addi %iota3A, %add3A_108 : vector<16xi32>
      %gt3A_110 = arith.cmpf ogt, %get3A_106, %select_n3A_102 : vector<16xf32>
      %select_n3A_111 = arith.select %gt3A_110, %get3A_106, %select_n3A_102 : vector<16xi1>, vector<16xf32>
      %select_n3A_112 = arith.select %gt3A_110, %add3A_109, %select_n3A_103 : vector<16xi1>, vector<16xi32>
      %get3A_113 = arith.constant 176 : index
      %get3A_114 = tpu.vector_load %arg4[%get3A_113] {strides = array<i32>} : memref<512xf32, #tpu.memory_space<vmem>>, vector<16xf32>,
      %get3A_115 = vector.shape_cast %get3A_114 : vector<16xf32> to vector<16xf32>
      %add3A_116 = arith.constant 176 : i32
      %add3A_117 = vector.broadcast %add3A_116 : i32 to vector<16xi32>
      %add3A_118 = arith.addi %iota3A, %add3A_117 : vector<16xi32>
      %gt3A_119 = arith.cmpf ogt, %get3A_115, %select_n3A_111 : vector<16xf32>
      %select_n3A_120 = arith.select %gt3A_119, %get3A_115, %select_n3A_111 : vector<16xi1>, vector<16xf32>
      %select_n3A_121 = arith.select %gt3A_119, %add3A_118, %select_n3A_112 : vector<16xi1>, vector<16xi32>
      %get3A_122 = arith.constant 192 : index
      %get3A_123 = tpu.vector_load %arg4[%get3A_122] {strides = array<i32>} : memref<512xf32, #tpu.memory_space<vmem>>, vector<16xf32>,
      %get3A_124 = vector.shape_cast %get3A_123 : vector<16xf32> to vector<16xf32>
      %add3A_125 = arith.constant 192 : i32
      %add3A_126 = vector.broadcast %add3A_125 : i32 to vector<16xi32>
      %add3A_127 = arith.addi %iota3A, %add3A_126 : vector<16xi32>
      %gt3A_128 = arith.cmpf ogt, %get3A_124, %select_n3A_120 : vector<16xf32>
      %select_n3A_129 = arith.select %gt3A_128, %get3A_124, %select_n3A_120 : vector<16xi1>, vector<16xf32>
      %select_n3A_130 = arith.select %gt3A_128, %add3A_127, %select_n3A_121 : vector<16xi1>, vector<16xi32>
      %get3A_131 = arith.constant 208 : index
      %get3A_132 = tpu.vector_load %arg4[%get3A_131] {strides = array<i32>} : memref<512xf32, #tpu.memory_space<vmem>>, vector<16xf32>,
      %get3A_133 = vector.shape_cast %get3A_132 : vector<16xf32> to vector<16xf32>
      %add3A_134 = arith.constant 208 : i32
      %add3A_135 = vector.broadcast %add3A_134 : i32 to vector<16xi32>
      %add3A_136 = arith.addi %iota3A, %add3A_135 : vector<16xi32>
      %gt3A_137 = arith.cmpf ogt, %get3A_133, %select_n3A_129 : vector<16xf32>
      %select_n3A_138 = arith.select %gt3A_137, %get3A_133, %select_n3A_129 : vector<16xi1>, vector<16xf32>
      %select_n3A_139 = arith.select %gt3A_137, %add3A_136, %select_n3A_130 : vector<16xi1>, vector<16xi32>
      %get3A_140 = arith.constant 224 : index
      %get3A_141 = tpu.vector_load %arg4[%get3A_140] {strides = array<i32>} : memref<512xf32, #tpu.memory_space<vmem>>, vector<16xf32>,
      %get3A_142 = vector.shape_cast %get3A_141 : vector<16xf32> to vector<16xf32>
      %add3A_143 = arith.constant 224 : i32
      %add3A_144 = vector.broadcast %add3A_143 : i32 to vector<16xi32>
      %add3A_145 = arith.addi %iota3A, %add3A_144 : vector<16xi32>
      %gt3A_146 = arith.cmpf ogt, %get3A_142, %select_n3A_138 : vector<16xf32>
      %select_n3A_147 = arith.select %gt3A_146, %get3A_142, %select_n3A_138 : vector<16xi1>, vector<16xf32>
      %select_n3A_148 = arith.select %gt3A_146, %add3A_145, %select_n3A_139 : vector<16xi1>, vector<16xi32>
      %get3A_149 = arith.constant 240 : index
      %get3A_150 = tpu.vector_load %arg4[%get3A_149] {strides = array<i32>} : memref<512xf32, #tpu.memory_space<vmem>>, vector<16xf32>,
      %get3A_151 = vector.shape_cast %get3A_150 : vector<16xf32> to vector<16xf32>
      %add3A_152 = arith.constant 240 : i32
      %add3A_153 = vector.broadcast %add3A_152 : i32 to vector<16xi32>
      %add3A_154 = arith.addi %iota3A, %add3A_153 : vector<16xi32>
      %gt3A_155 = arith.cmpf ogt, %get3A_151, %select_n3A_147 : vector<16xf32>
      %select_n3A_156 = arith.select %gt3A_155, %get3A_151, %select_n3A_147 : vector<16xi1>, vector<16xf32>
      %select_n3A_157 = arith.select %gt3A_155, %add3A_154, %select_n3A_148 : vector<16xi1>, vector<16xi32>
      %get3A_158 = arith.constant 256 : index
      %get3A_159 = tpu.vector_load %arg4[%get3A_158] {strides = array<i32>} : memref<512xf32, #tpu.memory_space<vmem>>, vector<16xf32>,
      %get3A_160 = vector.shape_cast %get3A_159 : vector<16xf32> to vector<16xf32>
      %add3A_161 = arith.constant 256 : i32
      %add3A_162 = vector.broadcast %add3A_161 : i32 to vector<16xi32>
      %add3A_163 = arith.addi %iota3A, %add3A_162 : vector<16xi32>
      %gt3A_164 = arith.cmpf ogt, %get3A_160, %select_n3A_156 : vector<16xf32>
      %select_n3A_165 = arith.select %gt3A_164, %get3A_160, %select_n3A_156 : vector<16xi1>, vector<16xf32>
      %select_n3A_166 = arith.select %gt3A_164, %add3A_163, %select_n3A_157 : vector<16xi1>, vector<16xi32>
      %get3A_167 = arith.constant 272 : index
      %get3A_168 = tpu.vector_load %arg4[%get3A_167] {strides = array<i32>} : memref<512xf32, #tpu.memory_space<vmem>>, vector<16xf32>,
      %get3A_169 = vector.shape_cast %get3A_168 : vector<16xf32> to vector<16xf32>
      %add3A_170 = arith.constant 272 : i32
      %add3A_171 = vector.broadcast %add3A_170 : i32 to vector<16xi32>
      %add3A_172 = arith.addi %iota3A, %add3A_171 : vector<16xi32>
      %gt3A_173 = arith.cmpf ogt, %get3A_169, %select_n3A_165 : vector<16xf32>
      %select_n3A_174 = arith.select %gt3A_173, %get3A_169, %select_n3A_165 : vector<16xi1>, vector<16xf32>
      %select_n3A_175 = arith.select %gt3A_173, %add3A_172, %select_n3A_166 : vector<16xi1>, vector<16xi32>
      %get3A_176 = arith.constant 288 : index
      %get3A_177 = tpu.vector_load %arg4[%get3A_176] {strides = array<i32>} : memref<512xf32, #tpu.memory_space<vmem>>, vector<16xf32>,
      %get3A_178 = vector.shape_cast %get3A_177 : vector<16xf32> to vector<16xf32>
      %add3A_179 = arith.constant 288 : i32
      %add3A_180 = vector.broadcast %add3A_179 : i32 to vector<16xi32>
      %add3A_181 = arith.addi %iota3A, %add3A_180 : vector<16xi32>
      %gt3A_182 = arith.cmpf ogt, %get3A_178, %select_n3A_174 : vector<16xf32>
      %select_n3A_183 = arith.select %gt3A_182, %get3A_178, %select_n3A_174 : vector<16xi1>, vector<16xf32>
      %select_n3A_184 = arith.select %gt3A_182, %add3A_181, %select_n3A_175 : vector<16xi1>, vector<16xi32>
      %get3A_185 = arith.constant 304 : index
      %get3A_186 = tpu.vector_load %arg4[%get3A_185] {strides = array<i32>} : memref<512xf32, #tpu.memory_space<vmem>>, vector<16xf32>,
      %get3A_187 = vector.shape_cast %get3A_186 : vector<16xf32> to vector<16xf32>
      %add3A_188 = arith.constant 304 : i32
      %add3A_189 = vector.broadcast %add3A_188 : i32 to vector<16xi32>
      %add3A_190 = arith.addi %iota3A, %add3A_189 : vector<16xi32>
      %gt3A_191 = arith.cmpf ogt, %get3A_187, %select_n3A_183 : vector<16xf32>
      %select_n3A_192 = arith.select %gt3A_191, %get3A_187, %select_n3A_183 : vector<16xi1>, vector<16xf32>
      %select_n3A_193 = arith.select %gt3A_191, %add3A_190, %select_n3A_184 : vector<16xi1>, vector<16xi32>
      %get3A_194 = arith.constant 320 : index
      %get3A_195 = tpu.vector_load %arg4[%get3A_194] {strides = array<i32>} : memref<512xf32, #tpu.memory_space<vmem>>, vector<16xf32>,
      %get3A_196 = vector.shape_cast %get3A_195 : vector<16xf32> to vector<16xf32>
      %add3A_197 = arith.constant 320 : i32
      %add3A_198 = vector.broadcast %add3A_197 : i32 to vector<16xi32>
      %add3A_199 = arith.addi %iota3A, %add3A_198 : vector<16xi32>
      %gt3A_200 = arith.cmpf ogt, %get3A_196, %select_n3A_192 : vector<16xf32>
      %select_n3A_201 = arith.select %gt3A_200, %get3A_196, %select_n3A_192 : vector<16xi1>, vector<16xf32>
      %select_n3A_202 = arith.select %gt3A_200, %add3A_199, %select_n3A_193 : vector<16xi1>, vector<16xi32>
      %get3A_203 = arith.constant 336 : index
      %get3A_204 = tpu.vector_load %arg4[%get3A_203] {strides = array<i32>} : memref<512xf32, #tpu.memory_space<vmem>>, vector<16xf32>,
      %get3A_205 = vector.shape_cast %get3A_204 : vector<16xf32> to vector<16xf32>
      %add3A_206 = arith.constant 336 : i32
      %add3A_207 = vector.broadcast %add3A_206 : i32 to vector<16xi32>
      %add3A_208 = arith.addi %iota3A, %add3A_207 : vector<16xi32>
      %gt3A_209 = arith.cmpf ogt, %get3A_205, %select_n3A_201 : vector<16xf32>
      %select_n3A_210 = arith.select %gt3A_209, %get3A_205, %select_n3A_201 : vector<16xi1>, vector<16xf32>
      %select_n3A_211 = arith.select %gt3A_209, %add3A_208, %select_n3A_202 : vector<16xi1>, vector<16xi32>
      %get3A_212 = arith.constant 352 : index
      %get3A_213 = tpu.vector_load %arg4[%get3A_212] {strides = array<i32>} : memref<512xf32, #tpu.memory_space<vmem>>, vector<16xf32>,
      %get3A_214 = vector.shape_cast %get3A_213 : vector<16xf32> to vector<16xf32>
      %add3A_215 = arith.constant 352 : i32
      %add3A_216 = vector.broadcast %add3A_215 : i32 to vector<16xi32>
      %add3A_217 = arith.addi %iota3A, %add3A_216 : vector<16xi32>
      %gt3A_218 = arith.cmpf ogt, %get3A_214, %select_n3A_210 : vector<16xf32>
      %select_n3A_219 = arith.select %gt3A_218, %get3A_214, %select_n3A_210 : vector<16xi1>, vector<16xf32>
      %select_n3A_220 = arith.select %gt3A_218, %add3A_217, %select_n3A_211 : vector<16xi1>, vector<16xi32>
      %get3A_221 = arith.constant 368 : index
      %get3A_222 = tpu.vector_load %arg4[%get3A_221] {strides = array<i32>} : memref<512xf32, #tpu.memory_space<vmem>>, vector<16xf32>,
      %get3A_223 = vector.shape_cast %get3A_222 : vector<16xf32> to vector<16xf32>
      %add3A_224 = arith.constant 368 : i32
      %add3A_225 = vector.broadcast %add3A_224 : i32 to vector<16xi32>
      %add3A_226 = arith.addi %iota3A, %add3A_225 : vector<16xi32>
      %gt3A_227 = arith.cmpf ogt, %get3A_223, %select_n3A_219 : vector<16xf32>
      %select_n3A_228 = arith.select %gt3A_227, %get3A_223, %select_n3A_219 : vector<16xi1>, vector<16xf32>
      %select_n3A_229 = arith.select %gt3A_227, %add3A_226, %select_n3A_220 : vector<16xi1>, vector<16xi32>
      %get3A_230 = arith.constant 384 : index
      %get3A_231 = tpu.vector_load %arg4[%get3A_230] {strides = array<i32>} : memref<512xf32, #tpu.memory_space<vmem>>, vector<16xf32>,
      %get3A_232 = vector.shape_cast %get3A_231 : vector<16xf32> to vector<16xf32>
      %add3A_233 = arith.constant 384 : i32
      %add3A_234 = vector.broadcast %add3A_233 : i32 to vector<16xi32>
      %add3A_235 = arith.addi %iota3A, %add3A_234 : vector<16xi32>
      %gt3A_236 = arith.cmpf ogt, %get3A_232, %select_n3A_228 : vector<16xf32>
      %select_n3A_237 = arith.select %gt3A_236, %get3A_232, %select_n3A_228 : vector<16xi1>, vector<16xf32>
      %select_n3A_238 = arith.select %gt3A_236, %add3A_235, %select_n3A_229 : vector<16xi1>, vector<16xi32>
      %get3A_239 = arith.constant 400 : index
      %get3A_240 = tpu.vector_load %arg4[%get3A_239] {strides = array<i32>} : memref<512xf32, #tpu.memory_space<vmem>>, vector<16xf32>,
      %get3A_241 = vector.shape_cast %get3A_240 : vector<16xf32> to vector<16xf32>
      %add3A_242 = arith.constant 400 : i32
      %add3A_243 = vector.broadcast %add3A_242 : i32 to vector<16xi32>
      %add3A_244 = arith.addi %iota3A, %add3A_243 : vector<16xi32>
      %gt3A_245 = arith.cmpf ogt, %get3A_241, %select_n3A_237 : vector<16xf32>
      %select_n3A_246 = arith.select %gt3A_245, %get3A_241, %select_n3A_237 : vector<16xi1>, vector<16xf32>
      %select_n3A_247 = arith.select %gt3A_245, %add3A_244, %select_n3A_238 : vector<16xi1>, vector<16xi32>
      %get3A_248 = arith.constant 416 : index
      %get3A_249 = tpu.vector_load %arg4[%get3A_248] {strides = array<i32>} : memref<512xf32, #tpu.memory_space<vmem>>, vector<16xf32>,
      %get3A_250 = vector.shape_cast %get3A_249 : vector<16xf32> to vector<16xf32>
      %add3A_251 = arith.constant 416 : i32
      %add3A_252 = vector.broadcast %add3A_251 : i32 to vector<16xi32>
      %add3A_253 = arith.addi %iota3A, %add3A_252 : vector<16xi32>
      %gt3A_254 = arith.cmpf ogt, %get3A_250, %select_n3A_246 : vector<16xf32>
      %select_n3A_255 = arith.select %gt3A_254, %get3A_250, %select_n3A_246 : vector<16xi1>, vector<16xf32>
      %select_n3A_256 = arith.select %gt3A_254, %add3A_253, %select_n3A_247 : vector<16xi1>, vector<16xi32>
      %get3A_257 = arith.constant 432 : index
      %get3A_258 = tpu.vector_load %arg4[%get3A_257] {strides = array<i32>} : memref<512xf32, #tpu.memory_space<vmem>>, vector<16xf32>,
      %get3A_259 = vector.shape_cast %get3A_258 : vector<16xf32> to vector<16xf32>
      %add3A_260 = arith.constant 432 : i32
      %add3A_261 = vector.broadcast %add3A_260 : i32 to vector<16xi32>
      %add3A_262 = arith.addi %iota3A, %add3A_261 : vector<16xi32>
      %gt3A_263 = arith.cmpf ogt, %get3A_259, %select_n3A_255 : vector<16xf32>
      %select_n3A_264 = arith.select %gt3A_263, %get3A_259, %select_n3A_255 : vector<16xi1>, vector<16xf32>
      %select_n3A_265 = arith.select %gt3A_263, %add3A_262, %select_n3A_256 : vector<16xi1>, vector<16xi32>
      %get3A_266 = arith.constant 448 : index
      %get3A_267 = tpu.vector_load %arg4[%get3A_266] {strides = array<i32>} : memref<512xf32, #tpu.memory_space<vmem>>, vector<16xf32>,
      %get3A_268 = vector.shape_cast %get3A_267 : vector<16xf32> to vector<16xf32>
      %add3A_269 = arith.constant 448 : i32
      %add3A_270 = vector.broadcast %add3A_269 : i32 to vector<16xi32>
      %add3A_271 = arith.addi %iota3A, %add3A_270 : vector<16xi32>
      %gt3A_272 = arith.cmpf ogt, %get3A_268, %select_n3A_264 : vector<16xf32>
      %select_n3A_273 = arith.select %gt3A_272, %get3A_268, %select_n3A_264 : vector<16xi1>, vector<16xf32>
      %select_n3A_274 = arith.select %gt3A_272, %add3A_271, %select_n3A_265 : vector<16xi1>, vector<16xi32>
      %get3A_275 = arith.constant 464 : index
      %get3A_276 = tpu.vector_load %arg4[%get3A_275] {strides = array<i32>} : memref<512xf32, #tpu.memory_space<vmem>>, vector<16xf32>,
      %get3A_277 = vector.shape_cast %get3A_276 : vector<16xf32> to vector<16xf32>
      %add3A_278 = arith.constant 464 : i32
      %add3A_279 = vector.broadcast %add3A_278 : i32 to vector<16xi32>
      %add3A_280 = arith.addi %iota3A, %add3A_279 : vector<16xi32>
      %gt3A_281 = arith.cmpf ogt, %get3A_277, %select_n3A_273 : vector<16xf32>
      %select_n3A_282 = arith.select %gt3A_281, %get3A_277, %select_n3A_273 : vector<16xi1>, vector<16xf32>
      %select_n3A_283 = arith.select %gt3A_281, %add3A_280, %select_n3A_274 : vector<16xi1>, vector<16xi32>
      %get3A_284 = arith.constant 480 : index
      %get3A_285 = tpu.vector_load %arg4[%get3A_284] {strides = array<i32>} : memref<512xf32, #tpu.memory_space<vmem>>, vector<16xf32>,
      %get3A_286 = vector.shape_cast %get3A_285 : vector<16xf32> to vector<16xf32>
      %add3A_287 = arith.constant 480 : i32
      %add3A_288 = vector.broadcast %add3A_287 : i32 to vector<16xi32>
      %add3A_289 = arith.addi %iota3A, %add3A_288 : vector<16xi32>
      %gt3A_290 = arith.cmpf ogt, %get3A_286, %select_n3A_282 : vector<16xf32>
      %select_n3A_291 = arith.select %gt3A_290, %get3A_286, %select_n3A_282 : vector<16xi1>, vector<16xf32>
      %select_n3A_292 = arith.select %gt3A_290, %add3A_289, %select_n3A_283 : vector<16xi1>, vector<16xi32>
      %get3A_293 = arith.constant 496 : index
      %get3A_294 = tpu.vector_load %arg4[%get3A_293] {strides = array<i32>} : memref<512xf32, #tpu.memory_space<vmem>>, vector<16xf32>,
      %get3A_295 = vector.shape_cast %get3A_294 : vector<16xf32> to vector<16xf32>
      %add3A_296 = arith.constant 496 : i32
      %add3A_297 = vector.broadcast %add3A_296 : i32 to vector<16xi32>
      %add3A_298 = arith.addi %iota3A, %add3A_297 : vector<16xi32>
      %gt3A_299 = arith.cmpf ogt, %get3A_295, %select_n3A_291 : vector<16xf32>
      %select_n3A_300 = arith.select %gt3A_299, %get3A_295, %select_n3A_291 : vector<16xi1>, vector<16xf32>
      %select_n3A_301 = arith.select %gt3A_299, %add3A_298, %select_n3A_292 : vector<16xi1>, vector<16xi32>
      %xor3A = arith.constant 8 : i32
      %xor3A_302 = vector.broadcast %xor3A : i32 to vector<16xi32>
      %xor3A_303 = arith.xori %iota3A, %xor3A_302 : vector<16xi32>
      %broadcast_in_dim3A_304 = vector.shape_cast %xor3A_303 : vector<16xi32> to vector<16x1xi32>
      %gather3A = vector.shape_cast %broadcast_in_dim3A_304 : vector<16x1xi32> to vector<16xi32>
      %gather3A_305 = tpu.dynamic_gather %select_n3A_300[%gather3A] in [0] : vector<16xf32>, vector<16xi32> -> vector<16xf32>
      %broadcast_in_dim3A_306 = vector.shape_cast %xor3A_303 : vector<16xi32> to vector<16x1xi32>
      %gather3A_307 = vector.shape_cast %broadcast_in_dim3A_306 : vector<16x1xi32> to vector<16xi32>
      %gather3A_308 = tpu.dynamic_gather %select_n3A_301[%gather3A_307] in [0] : vector<16xi32>, vector<16xi32> -> vector<16xi32>
      %gt3A_309 = arith.cmpf ogt, %gather3A_305, %select_n3A_300 : vector<16xf32>
      %eq3A = arith.cmpf oeq, %gather3A_305, %select_n3A_300 : vector<16xf32>
      %lt3A_310 = arith.cmpi slt, %gather3A_308, %select_n3A_301 : vector<16xi32>
      %and3A = arith.andi %eq3A, %lt3A_310 : vector<16xi1>
      %or3A = arith.ori %gt3A_309, %and3A : vector<16xi1>
      %select_n3A_311 = arith.select %or3A, %gather3A_305, %select_n3A_300 : vector<16xi1>, vector<16xf32>
      %select_n3A_312 = arith.select %or3A, %gather3A_308, %select_n3A_301 : vector<16xi1>, vector<16xi32>
      %xor3A_313 = arith.constant 4 : i32
      %xor3A_314 = vector.broadcast %xor3A_313 : i32 to vector<16xi32>
      %xor3A_315 = arith.xori %iota3A, %xor3A_314 : vector<16xi32>
      %broadcast_in_dim3A_316 = vector.shape_cast %xor3A_315 : vector<16xi32> to vector<16x1xi32>
      %gather3A_317 = vector.shape_cast %broadcast_in_dim3A_316 : vector<16x1xi32> to vector<16xi32>
      %gather3A_318 = tpu.dynamic_gather %select_n3A_311[%gather3A_317] in [0] : vector<16xf32>, vector<16xi32> -> vector<16xf32>
      %broadcast_in_dim3A_319 = vector.shape_cast %xor3A_315 : vector<16xi32> to vector<16x1xi32>
      %gather3A_320 = vector.shape_cast %broadcast_in_dim3A_319 : vector<16x1xi32> to vector<16xi32>
      %gather3A_321 = tpu.dynamic_gather %select_n3A_312[%gather3A_320] in [0] : vector<16xi32>, vector<16xi32> -> vector<16xi32>
      %gt3A_322 = arith.cmpf ogt, %gather3A_318, %select_n3A_311 : vector<16xf32>
      %eq3A_323 = arith.cmpf oeq, %gather3A_318, %select_n3A_311 : vector<16xf32>
      %lt3A_324 = arith.cmpi slt, %gather3A_321, %select_n3A_312 : vector<16xi32>
      %and3A_325 = arith.andi %eq3A_323, %lt3A_324 : vector<16xi1>
      %or3A_326 = arith.ori %gt3A_322, %and3A_325 : vector<16xi1>
      %select_n3A_327 = arith.select %or3A_326, %gather3A_318, %select_n3A_311 : vector<16xi1>, vector<16xf32>
      %select_n3A_328 = arith.select %or3A_326, %gather3A_321, %select_n3A_312 : vector<16xi1>, vector<16xi32>
      %xor3A_329 = arith.constant 2 : i32
      %xor3A_330 = vector.broadcast %xor3A_329 : i32 to vector<16xi32>
      %xor3A_331 = arith.xori %iota3A, %xor3A_330 : vector<16xi32>
      %broadcast_in_dim3A_332 = vector.shape_cast %xor3A_331 : vector<16xi32> to vector<16x1xi32>
      %gather3A_333 = vector.shape_cast %broadcast_in_dim3A_332 : vector<16x1xi32> to vector<16xi32>
      %gather3A_334 = tpu.dynamic_gather %select_n3A_327[%gather3A_333] in [0] : vector<16xf32>, vector<16xi32> -> vector<16xf32>
      %broadcast_in_dim3A_335 = vector.shape_cast %xor3A_331 : vector<16xi32> to vector<16x1xi32>
      %gather3A_336 = vector.shape_cast %broadcast_in_dim3A_335 : vector<16x1xi32> to vector<16xi32>
      %gather3A_337 = tpu.dynamic_gather %select_n3A_328[%gather3A_336] in [0] : vector<16xi32>, vector<16xi32> -> vector<16xi32>
      %gt3A_338 = arith.cmpf ogt, %gather3A_334, %select_n3A_327 : vector<16xf32>
      %eq3A_339 = arith.cmpf oeq, %gather3A_334, %select_n3A_327 : vector<16xf32>
      %lt3A_340 = arith.cmpi slt, %gather3A_337, %select_n3A_328 : vector<16xi32>
      %and3A_341 = arith.andi %eq3A_339, %lt3A_340 : vector<16xi1>
      %or3A_342 = arith.ori %gt3A_338, %and3A_341 : vector<16xi1>
      %select_n3A_343 = arith.select %or3A_342, %gather3A_334, %select_n3A_327 : vector<16xi1>, vector<16xf32>
      %select_n3A_344 = arith.select %or3A_342, %gather3A_337, %select_n3A_328 : vector<16xi1>, vector<16xi32>
      %xor3A_345 = arith.constant 1 : i32
      %xor3A_346 = vector.broadcast %xor3A_345 : i32 to vector<16xi32>
      %xor3A_347 = arith.xori %iota3A, %xor3A_346 : vector<16xi32>
      %broadcast_in_dim3A_348 = vector.shape_cast %xor3A_347 : vector<16xi32> to vector<16x1xi32>
      %gather3A_349 = vector.shape_cast %broadcast_in_dim3A_348 : vector<16x1xi32> to vector<16xi32>
      %gather3A_350 = tpu.dynamic_gather %select_n3A_343[%gather3A_349] in [0] : vector<16xf32>, vector<16xi32> -> vector<16xf32>
      %broadcast_in_dim3A_351 = vector.shape_cast %xor3A_347 : vector<16xi32> to vector<16x1xi32>
      %gather3A_352 = vector.shape_cast %broadcast_in_dim3A_351 : vector<16x1xi32> to vector<16xi32>
      %gather3A_353 = tpu.dynamic_gather %select_n3A_344[%gather3A_352] in [0] : vector<16xi32>, vector<16xi32> -> vector<16xi32>
      %gt3A_354 = arith.cmpf ogt, %gather3A_350, %select_n3A_343 : vector<16xf32>
      %eq3A_355 = arith.cmpf oeq, %gather3A_350, %select_n3A_343 : vector<16xf32>
      %lt3A_356 = arith.cmpi slt, %gather3A_353, %select_n3A_344 : vector<16xi32>
      %and3A_357 = arith.andi %eq3A_355, %lt3A_356 : vector<16xi1>
      %or3A_358 = arith.ori %gt3A_354, %and3A_357 : vector<16xi1>
      %select_n3A_359 = arith.select %or3A_358, %gather3A_350, %select_n3A_343 : vector<16xi1>, vector<16xf32>
      %select_n3A_360 = arith.select %or3A_358, %gather3A_353, %select_n3A_344 : vector<16xi1>, vector<16xi32>
      %jit3A = arith.constant 4 : i32
      %eq3A_361 = arith.constant 0 : i32
      %eq3A_362 = arith.cmpi eq, %jit3A, %eq3A_361 : i32
      %jit3A_363 = arith.constant 1 : i32
      %select_n3A_364 = arith.select %eq3A_362, %jit3A_363, %jit3A : i32
      %rem3A = arith.remsi %add3A_6, %select_n3A_364 : i32
      %ne3A = arith.constant 0 : i32
      %ne3A_365 = arith.cmpi ne, %rem3A, %ne3A : i32
      %lt3A_366 = arith.constant 0 : i32
      %lt3A_367 = arith.cmpi slt, %rem3A, %lt3A_366 : i32
      %lt3A_368 = arith.constant 0 : i32
      %lt3A_369 = arith.cmpi slt, %select_n3A_364, %lt3A_368 : i32
      %ne3A_370 = arith.xori %lt3A_367, %lt3A_369 : i1
      %and3A_371 = arith.andi %ne3A_370, %ne3A_365 : i1
      %add3A_372 = arith.addi %rem3A, %select_n3A_364 : i32
      %select_n3A_373 = arith.select %and3A_371, %add3A_372, %rem3A : i32
      %mul3A_374 = arith.constant 512 : i32
      %mul3A_375 = arith.muli %select_n3A_373, %mul3A_374 : i32
      %add3A_376 = vector.broadcast %mul3A_375 : i32 to vector<16xi32>
      %add3A_377 = arith.addi %select_n3A_360, %add3A_376 : vector<16xi32>
      %swap3A = arith.constant 0 : index
      %swap3A_378 = tpu.vector_load %arg5[%swap3A] {strides = array<i32>} : memref<16xi32, #tpu.memory_space<vmem>>, vector<16xi32>,
      %swap3A_379 = vector.shape_cast %swap3A_378 : vector<16xi32> to vector<16xi32>
      %swap3A_380 = vector.shape_cast %add3A_377 : vector<16xi32> to vector<16xi32>
      tpu.vector_store %arg5[%swap3A], %swap3A_380 {strides = array<i32>} : memref<16xi32, #tpu.memory_space<vmem>>, vector<16xi32>,
      "tpu.region"() ({
        %run_scoped3A = tpu.sem_alloc : memref<!tpu.dma_semaphore, #tpu.memory_space<semaphore_mem>>
        %dma_start3A = arith.constant 0 : i32
        %dma_start3A_381 = tpu.memref_slice %arg3[%add3A_6, %dma_start3A] : memref<48x16xi32, #tpu.memory_space<hbm>> -> memref<1x16xi32, #tpu.memory_space<hbm>>
        %dma_start3A_382 = tpu.memref_squeeze %dma_start3A_381 : memref<1x16xi32, #tpu.memory_space<hbm>> -> memref<16xi32, #tpu.memory_space<hbm>>
        %dma_start3A_383 = arith.constant 0 : i32
        %dma_start3A_384 = tpu.memref_slice %arg3[%add3A_6, %dma_start3A_383] : memref<48x16xi32, #tpu.memory_space<hbm>> -> memref<1x16xi32, #tpu.memory_space<hbm>>
        %dma_start3A_385 = tpu.memref_squeeze %dma_start3A_384 : memref<1x16xi32, #tpu.memory_space<hbm>> -> memref<16xi32, #tpu.memory_space<hbm>>
        tpu.enqueue_dma source(%arg5 : memref<16xi32, #tpu.memory_space<vmem>>) target(%dma_start3A_385 : memref<16xi32, #tpu.memory_space<hbm>>) target_semaphore(%run_scoped3A : memref<!tpu.dma_semaphore, #tpu.memory_space<semaphore_mem>>)
        %dma_wait3A = arith.constant 0 : i32
        %dma_wait3A_386 = tpu.memref_slice %arg3[%add3A_6, %dma_wait3A] : memref<48x16xi32, #tpu.memory_space<hbm>> -> memref<1x16xi32, #tpu.memory_space<hbm>>
        %dma_wait3A_387 = tpu.memref_squeeze %dma_wait3A_386 : memref<1x16xi32, #tpu.memory_space<hbm>> -> memref<16xi32, #tpu.memory_space<hbm>>
        %dma_wait3A_388 = arith.constant 0 : i32
        %dma_wait3A_389 = tpu.memref_slice %arg3[%add3A_6, %dma_wait3A_388] : memref<48x16xi32, #tpu.memory_space<hbm>> -> memref<1x16xi32, #tpu.memory_space<hbm>>
        %dma_wait3A_390 = tpu.memref_squeeze %dma_wait3A_389 : memref<1x16xi32, #tpu.memory_space<hbm>> -> memref<16xi32, #tpu.memory_space<hbm>>
        tpu.wait_dma2 semaphore(%run_scoped3A : memref<!tpu.dma_semaphore, #tpu.memory_space<semaphore_mem>>) src(%arg5 : memref<16xi32, #tpu.memory_space<vmem>>) dst(%dma_wait3A_390 : memref<16xi32, #tpu.memory_space<hbm>>)
        tpu.yield
      }) : () -> ()
    } else {
    }
    return
  }
}

module attributes {stable_mosaic.version = 14 : i64} {
  func.func @_qkv_kernel(%arg0: i32, %arg1: i32, %arg2: memref<256x768xf32, #tpu.memory_space<vmem>>, %arg3: memref<1x768x192xf32, #tpu.memory_space<vmem>>, %arg4: memref<1x1x192xf32, #tpu.memory_space<vmem>>, %arg5: memref<1x256x64xf32, #tpu.memory_space<vmem>>, %arg6: memref<1x256x64xf32, #tpu.memory_space<vmem>>, %arg7: memref<1x256x64xf32, #tpu.memory_space<vmem>>, %arg8: memref<1x256x1xf32, #tpu.memory_space<vmem>>, %arg9: memref<16x64xf32, #tpu.memory_space<vmem>>) attributes {dimension_semantics = [#tpu.dimension_semantics<arbitrary>, #tpu.dimension_semantics<arbitrary>], iteration_bounds = array<i64: 8, 12>, scalar_prefetch = 0 : i64, scratch_operands = 1 : i64, tpu.core_type = #tpu.core_type<tc>, window_params = [{transform_indices = @transform_0, window_bounds = array<i64: 256, 768>}, {transform_indices = @transform_1, window_bounds = array<i64: 1, 768, 192>}, {transform_indices = @transform_2, window_bounds = array<i64: 1, 1, 192>}, {transform_indices = @transform_3, window_bounds = array<i64: 1, 256, 64>}, {transform_indices = @transform_4, window_bounds = array<i64: 1, 256, 64>}, {transform_indices = @transform_5, window_bounds = array<i64: 1, 256, 64>}, {transform_indices = @transform_6, window_bounds = array<i64: 1, 256, 1>}]} {
    %get3A = arith.constant 0 : index
    %get3A_0 = arith.constant 0 : index
    %get3A_1 = vector.load %arg2[%get3A, %get3A_0] : memref<256x768xf32, #tpu.memory_space<vmem>>, vector<256x768xf32>
    %get3A_2 = arith.constant 0 : index
    %get3A_3 = arith.constant 0 : index
    %get3A_4 = arith.constant 0 : index
    %get3A_5 = vector.load %arg3[%get3A_2, %get3A_3, %get3A_4] : memref<1x768x192xf32, #tpu.memory_space<vmem>>, vector<1x768x192xf32>
    %get3A_6 = vector.shape_cast %get3A_5 : vector<1x768x192xf32> to vector<768x192xf32>
    %dot_general3A = arith.constant dense<0.000000e+00> : vector<256x192xf32>
    %dot_general3A_7 = tpu.matmul %get3A_1, %get3A_6, %dot_general3A {dimension_numbers = #tpu.dot_dimension_numbers<[1], [0], [0], [1], [0, 0, 1, 1], [], []>, transpose_lhs_hint = false} : vector<256x768xf32>, vector<768x192xf32>, vector<256x192xf32> -> vector<256x192xf32>
    %get3A_8 = arith.constant 0 : index
    %get3A_9 = arith.constant 0 : index
    %get3A_10 = arith.constant 0 : index
    %get3A_11 = vector.load %arg4[%get3A_8, %get3A_9, %get3A_10] : memref<1x1x192xf32, #tpu.memory_space<vmem>>, vector<1x1x192xf32>
    %get3A_12 = vector.shape_cast %get3A_11 : vector<1x1x192xf32> to vector<1x192xf32>
    %add3A = vector.broadcast %get3A_12 : vector<1x192xf32> to vector<256x192xf32>
    %add3A_13 = arith.addf %dot_general3A_7, %add3A : vector<256x192xf32>
    %slice3A = vector.extract_strided_slice %add3A_13 {offsets = [0, 0], sizes = [256, 64], strides = [1, 1]} : vector<256x192xf32> to vector<256x64xf32>
    %swap3A = arith.constant 0 : index
    %swap3A_14 = arith.constant 0 : index
    %swap3A_15 = arith.constant 0 : index
    %swap3A_16 = vector.load %arg5[%swap3A, %swap3A_14, %swap3A_15] : memref<1x256x64xf32, #tpu.memory_space<vmem>>, vector<1x256x64xf32>
    %swap3A_17 = vector.shape_cast %swap3A_16 : vector<1x256x64xf32> to vector<256x64xf32>
    %swap3A_18 = vector.shape_cast %slice3A : vector<256x64xf32> to vector<1x256x64xf32>
    tpu.vector_store %arg5[%swap3A, %swap3A_14, %swap3A_15], %swap3A_18 {strides = array<i32>} : memref<1x256x64xf32, #tpu.memory_space<vmem>>, vector<1x256x64xf32>,
    %slice3A_19 = vector.extract_strided_slice %add3A_13 {offsets = [0, 64], sizes = [256, 64], strides = [1, 1]} : vector<256x192xf32> to vector<256x64xf32>
    %slice3A_20 = vector.extract_strided_slice %add3A_13 {offsets = [0, 128], sizes = [256, 64], strides = [1, 1]} : vector<256x192xf32> to vector<256x64xf32>
    %swap3A_21 = arith.constant 0 : index
    %swap3A_22 = arith.constant 0 : index
    %swap3A_23 = arith.constant 0 : index
    %swap3A_24 = vector.load %arg7[%swap3A_21, %swap3A_22, %swap3A_23] : memref<1x256x64xf32, #tpu.memory_space<vmem>>, vector<1x256x64xf32>
    %swap3A_25 = vector.shape_cast %swap3A_24 : vector<1x256x64xf32> to vector<256x64xf32>
    %swap3A_26 = vector.shape_cast %slice3A_20 : vector<256x64xf32> to vector<1x256x64xf32>
    tpu.vector_store %arg7[%swap3A_21, %swap3A_22, %swap3A_23], %swap3A_26 {strides = array<i32>} : memref<1x256x64xf32, #tpu.memory_space<vmem>>, vector<1x256x64xf32>,
    %swap3A_27 = arith.constant 0 : index
    %swap3A_28 = arith.constant 0 : index
    %swap3A_29 = arith.constant 0 : index
    %swap3A_30 = vector.load %arg6[%swap3A_27, %swap3A_28, %swap3A_29] : memref<1x256x64xf32, #tpu.memory_space<vmem>>, vector<1x256x64xf32>
    %swap3A_31 = vector.shape_cast %swap3A_30 : vector<1x256x64xf32> to vector<256x64xf32>
    %swap3A_32 = vector.shape_cast %slice3A_19 : vector<256x64xf32> to vector<1x256x64xf32>
    tpu.vector_store %arg6[%swap3A_27, %swap3A_28, %swap3A_29], %swap3A_32 {strides = array<i32>} : memref<1x256x64xf32, #tpu.memory_space<vmem>>, vector<1x256x64xf32>,
    %eq3A = arith.constant 0 : i32
    %eq3A_33 = arith.cmpi eq, %arg0, %eq3A : i32
    %slice3A_34 = vector.extract_strided_slice %slice3A_19 {offsets = [0, 0], sizes = [1, 64], strides = [1, 1]} : vector<256x64xf32> to vector<1x64xf32>
    %get3A_35 = arith.index_cast %arg1 : i32 to index
    %get3A_36 = arith.constant 0 : index
    %get3A_37 = vector.load %arg9[%get3A_35, %get3A_36] : memref<16x64xf32, #tpu.memory_space<vmem>>, vector<1x64xf32>
    %select_n3A = arith.select %eq3A_33, %slice3A_34, %get3A_37 : vector<1x64xf32>
    %slice3A_38 = vector.extract_strided_slice %slice3A_19 {offsets = [0, 0], sizes = [255, 64], strides = [1, 1]} : vector<256x64xf32> to vector<255x64xf32>
    %concatenate3A = tpu.concatenate %select_n3A, %slice3A_38 in 0 : vector<1x64xf32>, vector<255x64xf32> -> vector<256x64xf32>
    %sub3A = arith.subf %slice3A_19, %concatenate3A : vector<256x64xf32>
    %mul3A = arith.mulf %slice3A_19, %slice3A_19 : vector<256x64xf32>
    %reduce_sum3A = arith.constant dense<0.000000e+00> : vector<256xf32>
    %reduce_sum3A_39 = vector.multi_reduction <add>, %mul3A, %reduce_sum3A [1] : vector<256x64xf32> to vector<256xf32>
    %broadcast_in_dim3A = vector.shape_cast %reduce_sum3A_39 : vector<256xf32> to vector<256x1xf32>
    %sqrt3A = math.sqrt %broadcast_in_dim3A : vector<256x1xf32>
    %mul3A_40 = arith.mulf %sub3A, %sub3A : vector<256x64xf32>
    %reduce_sum3A_41 = arith.constant dense<0.000000e+00> : vector<256xf32>
    %reduce_sum3A_42 = vector.multi_reduction <add>, %mul3A_40, %reduce_sum3A_41 [1] : vector<256x64xf32> to vector<256xf32>
    %broadcast_in_dim3A_43 = vector.shape_cast %reduce_sum3A_42 : vector<256xf32> to vector<256x1xf32>
    %sqrt3A_44 = math.sqrt %broadcast_in_dim3A_43 : vector<256x1xf32>
    %mul3A_45 = arith.constant 1.000000e+00 : f32
    %mul3A_46 = vector.broadcast %mul3A_45 : f32 to vector<256x1xf32>
    %mul3A_47 = arith.mulf %mul3A_46, %sqrt3A : vector<256x1xf32>
    %mul3A_48 = arith.constant 2.500000e-01 : f32
    %mul3A_49 = vector.broadcast %mul3A_48 : f32 to vector<256x1xf32>
    %mul3A_50 = arith.mulf %mul3A_49, %sqrt3A_44 : vector<256x1xf32>
    %add3A_51 = arith.addf %mul3A_47, %mul3A_50 : vector<256x1xf32>
    %swap3A_52 = arith.constant 0 : index
    %swap3A_53 = arith.constant 0 : index
    %swap3A_54 = arith.constant 0 : index
    %swap3A_55 = vector.load %arg8[%swap3A_52, %swap3A_53, %swap3A_54] : memref<1x256x1xf32, #tpu.memory_space<vmem>>, vector<1x256x1xf32>
    %swap3A_56 = vector.shape_cast %swap3A_55 : vector<1x256x1xf32> to vector<256x1xf32>
    %swap3A_57 = vector.shape_cast %add3A_51 : vector<256x1xf32> to vector<1x256x1xf32>
    tpu.vector_store %arg8[%swap3A_52, %swap3A_53, %swap3A_54], %swap3A_57 {strides = array<i32>} : memref<1x256x1xf32, #tpu.memory_space<vmem>>, vector<1x256x1xf32>,
    %slice3A_58 = vector.extract_strided_slice %slice3A_19 {offsets = [255, 0], sizes = [1, 64], strides = [1, 1]} : vector<256x64xf32> to vector<1x64xf32>
    %swap3A_59 = arith.index_cast %arg1 : i32 to index
    %swap3A_60 = arith.constant 0 : index
    %swap3A_61 = vector.load %arg9[%swap3A_59, %swap3A_60] : memref<16x64xf32, #tpu.memory_space<vmem>>, vector<1x64xf32>
    tpu.vector_store %arg9[%swap3A_59, %swap3A_60], %slice3A_58 {strides = array<i32>} : memref<16x64xf32, #tpu.memory_space<vmem>>, vector<1x64xf32>,
    return
  }
  func.func @transform_0(%arg0: i32, %arg1: i32) -> (i32, i32) {
    %c0_i32 = arith.constant 0 : i32
    %c0_i32_0 = arith.constant 0 : i32
    return %arg0, %c0_i32 : i32, i32
  }
  func.func @transform_1(%arg0: i32, %arg1: i32) -> (i32, i32, i32) {
    %c0_i32 = arith.constant 0 : i32
    %c0_i32_0 = arith.constant 0 : i32
    %c0_i32_1 = arith.constant 0 : i32
    return %arg1, %c0_i32, %c0_i32_0 : i32, i32, i32
  }
  func.func @transform_2(%arg0: i32, %arg1: i32) -> (i32, i32, i32) {
    %c0_i32 = arith.constant 0 : i32
    %c0_i32_0 = arith.constant 0 : i32
    %c0_i32_1 = arith.constant 0 : i32
    return %arg1, %c0_i32, %c0_i32_0 : i32, i32, i32
  }
  func.func @transform_3(%arg0: i32, %arg1: i32) -> (i32, i32, i32) {
    %c0_i32 = arith.constant 0 : i32
    %c0_i32_0 = arith.constant 0 : i32
    return %arg1, %arg0, %c0_i32 : i32, i32, i32
  }
  func.func @transform_4(%arg0: i32, %arg1: i32) -> (i32, i32, i32) {
    %c0_i32 = arith.constant 0 : i32
    %c0_i32_0 = arith.constant 0 : i32
    return %arg1, %arg0, %c0_i32 : i32, i32, i32
  }
  func.func @transform_5(%arg0: i32, %arg1: i32) -> (i32, i32, i32) {
    %c0_i32 = arith.constant 0 : i32
    %c0_i32_0 = arith.constant 0 : i32
    return %arg1, %arg0, %c0_i32 : i32, i32, i32
  }
  func.func @transform_6(%arg0: i32, %arg1: i32) -> (i32, i32, i32) {
    %c0_i32 = arith.constant 0 : i32
    %c0_i32_0 = arith.constant 0 : i32
    return %arg1, %arg0, %c0_i32 : i32, i32, i32
  }
}

module attributes {stable_mosaic.version = 14 : i64} {
  func.func @_attn_kernel(%arg0: i32, %arg1: i32, %arg2: memref<768xi32, #tpu.memory_space<smem>>, %arg3: memref<1x256x64xf32, #tpu.memory_space<vmem>>, %arg4: memref<1x2048x64xf32, #tpu.memory_space<vmem>>, %arg5: memref<1x2048x64xf32, #tpu.memory_space<vmem>>, %arg6: memref<1x256x64xf32, #tpu.memory_space<vmem>>, %arg7: memref<8x64xf32, #tpu.memory_space<vmem>>, %arg8: memref<8x64xf32, #tpu.memory_space<vmem>>) attributes {dimension_semantics = [#tpu.dimension_semantics<arbitrary>, #tpu.dimension_semantics<arbitrary>], iteration_bounds = array<i64: 12, 8>, scalar_prefetch = 1 : i64, scratch_operands = 2 : i64, tpu.core_type = #tpu.core_type<tc>, window_params = [{transform_indices = @transform_0, window_bounds = array<i64: 1, 256, 64>}, {transform_indices = @transform_1, window_bounds = array<i64: 1, 2048, 64>}, {transform_indices = @transform_2, window_bounds = array<i64: 1, 2048, 64>}, {transform_indices = @transform_3, window_bounds = array<i64: 1, 256, 64>}]} {
    %mul3A = arith.constant 256 : i32
    %mul3A_0 = arith.muli %arg1, %mul3A : i32
    %mul3A_1 = arith.constant 4 : i32
    %mul3A_2 = arith.muli %arg0, %mul3A_1 : i32
    %add3A = arith.constant 0 : i32
    %add3A_3 = arith.addi %mul3A_2, %add3A : i32
    %mul3A_4 = arith.constant 16 : i32
    %mul3A_5 = arith.muli %add3A_3, %mul3A_4 : i32
    %get3A = arith.index_cast %mul3A_5 : i32 to index
    %get3A_6 = memref.load %arg2[%get3A] : memref<768xi32, #tpu.memory_space<smem>>
    %mul3A_7 = arith.constant 4 : i32
    %mul3A_8 = arith.muli %arg0, %mul3A_7 : i32
    %add3A_9 = arith.constant 1 : i32
    %add3A_10 = arith.addi %mul3A_8, %add3A_9 : i32
    %mul3A_11 = arith.constant 16 : i32
    %mul3A_12 = arith.muli %add3A_10, %mul3A_11 : i32
    %get3A_13 = arith.index_cast %mul3A_12 : i32 to index
    %get3A_14 = memref.load %arg2[%get3A_13] : memref<768xi32, #tpu.memory_space<smem>>
    %mul3A_15 = arith.constant 4 : i32
    %mul3A_16 = arith.muli %arg0, %mul3A_15 : i32
    %add3A_17 = arith.constant 2 : i32
    %add3A_18 = arith.addi %mul3A_16, %add3A_17 : i32
    %mul3A_19 = arith.constant 16 : i32
    %mul3A_20 = arith.muli %add3A_18, %mul3A_19 : i32
    %get3A_21 = arith.index_cast %mul3A_20 : i32 to index
    %get3A_22 = memref.load %arg2[%get3A_21] : memref<768xi32, #tpu.memory_space<smem>>
    %mul3A_23 = arith.constant 4 : i32
    %mul3A_24 = arith.muli %arg0, %mul3A_23 : i32
    %add3A_25 = arith.constant 3 : i32
    %add3A_26 = arith.addi %mul3A_24, %add3A_25 : i32
    %mul3A_27 = arith.constant 16 : i32
    %mul3A_28 = arith.muli %add3A_26, %mul3A_27 : i32
    %get3A_29 = arith.index_cast %mul3A_28 : i32 to index
    %get3A_30 = memref.load %arg2[%get3A_29] : memref<768xi32, #tpu.memory_space<smem>>
    %iota3A = tpu.iota {dimensions = array<i32: 1>} : vector<1x8xi32>
    %broadcast_in_dim3A = arith.constant 0.000000e+00 : f32
    %broadcast_in_dim3A_31 = vector.broadcast %broadcast_in_dim3A : f32 to vector<1x8xf32>
    %eq3A = arith.constant 0 : i32
    %eq3A_32 = vector.broadcast %eq3A : i32 to vector<1x8xi32>
    %eq3A_33 = arith.cmpi eq, %iota3A, %eq3A_32 : vector<1x8xi32>
    %convert_element_type3A = arith.sitofp %get3A_6 : i32 to f32
    %mul3A_34 = arith.constant 1.000000e+00 : f32
    %mul3A_35 = arith.mulf %mul3A_34, %convert_element_type3A : f32
    %broadcast_in_dim3A_36 = vector.broadcast %mul3A_35 : f32 to vector<1x8xf32>
    %select_n3A = arith.select %eq3A_33, %broadcast_in_dim3A_36, %broadcast_in_dim3A_31 : vector<1x8xi1>, vector<1x8xf32>
    %eq3A_37 = arith.constant 1 : i32
    %eq3A_38 = vector.broadcast %eq3A_37 : i32 to vector<1x8xi32>
    %eq3A_39 = arith.cmpi eq, %iota3A, %eq3A_38 : vector<1x8xi32>
    %convert_element_type3A_40 = arith.sitofp %get3A_14 : i32 to f32
    %mul3A_41 = arith.constant 1.000000e+00 : f32
    %mul3A_42 = arith.mulf %mul3A_41, %convert_element_type3A_40 : f32
    %broadcast_in_dim3A_43 = vector.broadcast %mul3A_42 : f32 to vector<1x8xf32>
    %select_n3A_44 = arith.select %eq3A_39, %broadcast_in_dim3A_43, %select_n3A : vector<1x8xi1>, vector<1x8xf32>
    %eq3A_45 = arith.constant 2 : i32
    %eq3A_46 = vector.broadcast %eq3A_45 : i32 to vector<1x8xi32>
    %eq3A_47 = arith.cmpi eq, %iota3A, %eq3A_46 : vector<1x8xi32>
    %convert_element_type3A_48 = arith.sitofp %get3A_22 : i32 to f32
    %mul3A_49 = arith.constant 1.000000e+00 : f32
    %mul3A_50 = arith.mulf %mul3A_49, %convert_element_type3A_48 : f32
    %broadcast_in_dim3A_51 = vector.broadcast %mul3A_50 : f32 to vector<1x8xf32>
    %select_n3A_52 = arith.select %eq3A_47, %broadcast_in_dim3A_51, %select_n3A_44 : vector<1x8xi1>, vector<1x8xf32>
    %eq3A_53 = arith.constant 3 : i32
    %eq3A_54 = vector.broadcast %eq3A_53 : i32 to vector<1x8xi32>
    %eq3A_55 = arith.cmpi eq, %iota3A, %eq3A_54 : vector<1x8xi32>
    %convert_element_type3A_56 = arith.sitofp %get3A_30 : i32 to f32
    %mul3A_57 = arith.constant 1.000000e+00 : f32
    %mul3A_58 = arith.mulf %mul3A_57, %convert_element_type3A_56 : f32
    %broadcast_in_dim3A_59 = vector.broadcast %mul3A_58 : f32 to vector<1x8xf32>
    %select_n3A_60 = arith.select %eq3A_55, %broadcast_in_dim3A_59, %select_n3A_52 : vector<1x8xi1>, vector<1x8xf32>
    %eq3A_61 = arith.constant 4 : i32
    %eq3A_62 = vector.broadcast %eq3A_61 : i32 to vector<1x8xi32>
    %eq3A_63 = arith.cmpi eq, %iota3A, %eq3A_62 : vector<1x8xi32>
    %mul3A_64 = arith.constant 1.000000e+00 : f32
    %mul3A_65 = arith.constant 6.820000e+02 : f32
    %mul3A_66 = arith.mulf %mul3A_64, %mul3A_65 : f32
    %broadcast_in_dim3A_67 = vector.broadcast %mul3A_66 : f32 to vector<1x8xf32>
    %select_n3A_68 = arith.select %eq3A_63, %broadcast_in_dim3A_67, %select_n3A_60 : vector<1x8xi1>, vector<1x8xf32>
    %eq3A_69 = arith.constant 5 : i32
    %eq3A_70 = vector.broadcast %eq3A_69 : i32 to vector<1x8xi32>
    %eq3A_71 = arith.cmpi eq, %iota3A, %eq3A_70 : vector<1x8xi32>
    %mul3A_72 = arith.constant 1.000000e+00 : f32
    %mul3A_73 = arith.constant 1.365000e+03 : f32
    %mul3A_74 = arith.mulf %mul3A_72, %mul3A_73 : f32
    %broadcast_in_dim3A_75 = vector.broadcast %mul3A_74 : f32 to vector<1x8xf32>
    %select_n3A_76 = arith.select %eq3A_71, %broadcast_in_dim3A_75, %select_n3A_68 : vector<1x8xi1>, vector<1x8xf32>
    %eq3A_77 = arith.constant 6 : i32
    %eq3A_78 = vector.broadcast %eq3A_77 : i32 to vector<1x8xi32>
    %eq3A_79 = arith.cmpi eq, %iota3A, %eq3A_78 : vector<1x8xi32>
    %mul3A_80 = arith.constant 1.000000e+00 : f32
    %mul3A_81 = arith.constant 0.000000e+00 : f32
    %mul3A_82 = arith.mulf %mul3A_80, %mul3A_81 : f32
    %broadcast_in_dim3A_83 = vector.broadcast %mul3A_82 : f32 to vector<1x8xf32>
    %select_n3A_84 = arith.select %eq3A_79, %broadcast_in_dim3A_83, %select_n3A_76 : vector<1x8xi1>, vector<1x8xf32>
    %eq3A_85 = arith.constant 7 : i32
    %eq3A_86 = vector.broadcast %eq3A_85 : i32 to vector<1x8xi32>
    %eq3A_87 = arith.cmpi eq, %iota3A, %eq3A_86 : vector<1x8xi32>
    %mul3A_88 = arith.constant 1.000000e+00 : f32
    %mul3A_89 = arith.constant 2.047000e+03 : f32
    %mul3A_90 = arith.mulf %mul3A_88, %mul3A_89 : f32
    %broadcast_in_dim3A_91 = vector.broadcast %mul3A_90 : f32 to vector<1x8xf32>
    %select_n3A_92 = arith.select %eq3A_87, %broadcast_in_dim3A_91, %select_n3A_84 : vector<1x8xi1>, vector<1x8xf32>
    %eq3A_93 = arith.constant 0 : i32
    %eq3A_94 = arith.cmpi eq, %arg1, %eq3A_93 : i32
    %convert_element_type3A_95 = arith.extui %eq3A_94 : i1 to i32
    %cond3A = arith.constant 0 : i32
    %cond3A_96 = arith.cmpi ne, %convert_element_type3A_95, %cond3A : i32
    scf.if %cond3A_96 {
      %get3A_331 = arith.constant 0 : index
      %get3A_332 = arith.index_cast %get3A_6 : i32 to index
      %get3A_333 = arith.constant 0 : index
      %get3A_334 = vector.load %arg4[%get3A_331, %get3A_332, %get3A_333] : memref<1x2048x64xf32, #tpu.memory_space<vmem>>, vector<1x1x64xf32>
      %get3A_335 = vector.shape_cast %get3A_334 : vector<1x1x64xf32> to vector<1x64xf32>
      %swap3A_336 = arith.constant 0 : index
      %swap3A_337 = arith.constant 0 : index
      %swap3A_338 = vector.load %arg7[%swap3A_336, %swap3A_337] : memref<8x64xf32, #tpu.memory_space<vmem>>, vector<1x64xf32>
      tpu.vector_store %arg7[%swap3A_336, %swap3A_337], %get3A_335 {strides = array<i32>} : memref<8x64xf32, #tpu.memory_space<vmem>>, vector<1x64xf32>,
      %get3A_339 = arith.constant 0 : index
      %get3A_340 = arith.index_cast %get3A_6 : i32 to index
      %get3A_341 = arith.constant 0 : index
      %get3A_342 = vector.load %arg5[%get3A_339, %get3A_340, %get3A_341] : memref<1x2048x64xf32, #tpu.memory_space<vmem>>, vector<1x1x64xf32>
      %get3A_343 = vector.shape_cast %get3A_342 : vector<1x1x64xf32> to vector<1x64xf32>
      %swap3A_344 = arith.constant 0 : index
      %swap3A_345 = arith.constant 0 : index
      %swap3A_346 = vector.load %arg8[%swap3A_344, %swap3A_345] : memref<8x64xf32, #tpu.memory_space<vmem>>, vector<1x64xf32>
      tpu.vector_store %arg8[%swap3A_344, %swap3A_345], %get3A_343 {strides = array<i32>} : memref<8x64xf32, #tpu.memory_space<vmem>>, vector<1x64xf32>,
      %get3A_347 = arith.constant 0 : index
      %get3A_348 = arith.index_cast %get3A_14 : i32 to index
      %get3A_349 = arith.constant 0 : index
      %get3A_350 = vector.load %arg4[%get3A_347, %get3A_348, %get3A_349] : memref<1x2048x64xf32, #tpu.memory_space<vmem>>, vector<1x1x64xf32>
      %get3A_351 = vector.shape_cast %get3A_350 : vector<1x1x64xf32> to vector<1x64xf32>
      %swap3A_352 = arith.constant 1 : index
      %swap3A_353 = arith.constant 0 : index
      %swap3A_354 = vector.load %arg7[%swap3A_352, %swap3A_353] : memref<8x64xf32, #tpu.memory_space<vmem>>, vector<1x64xf32>
      tpu.vector_store %arg7[%swap3A_352, %swap3A_353], %get3A_351 {strides = array<i32>} : memref<8x64xf32, #tpu.memory_space<vmem>>, vector<1x64xf32>,
      %get3A_355 = arith.constant 0 : index
      %get3A_356 = arith.index_cast %get3A_14 : i32 to index
      %get3A_357 = arith.constant 0 : index
      %get3A_358 = vector.load %arg5[%get3A_355, %get3A_356, %get3A_357] : memref<1x2048x64xf32, #tpu.memory_space<vmem>>, vector<1x1x64xf32>
      %get3A_359 = vector.shape_cast %get3A_358 : vector<1x1x64xf32> to vector<1x64xf32>
      %swap3A_360 = arith.constant 1 : index
      %swap3A_361 = arith.constant 0 : index
      %swap3A_362 = vector.load %arg8[%swap3A_360, %swap3A_361] : memref<8x64xf32, #tpu.memory_space<vmem>>, vector<1x64xf32>
      tpu.vector_store %arg8[%swap3A_360, %swap3A_361], %get3A_359 {strides = array<i32>} : memref<8x64xf32, #tpu.memory_space<vmem>>, vector<1x64xf32>,
      %get3A_363 = arith.constant 0 : index
      %get3A_364 = arith.index_cast %get3A_22 : i32 to index
      %get3A_365 = arith.constant 0 : index
      %get3A_366 = vector.load %arg4[%get3A_363, %get3A_364, %get3A_365] : memref<1x2048x64xf32, #tpu.memory_space<vmem>>, vector<1x1x64xf32>
      %get3A_367 = vector.shape_cast %get3A_366 : vector<1x1x64xf32> to vector<1x64xf32>
      %swap3A_368 = arith.constant 2 : index
      %swap3A_369 = arith.constant 0 : index
      %swap3A_370 = vector.load %arg7[%swap3A_368, %swap3A_369] : memref<8x64xf32, #tpu.memory_space<vmem>>, vector<1x64xf32>
      tpu.vector_store %arg7[%swap3A_368, %swap3A_369], %get3A_367 {strides = array<i32>} : memref<8x64xf32, #tpu.memory_space<vmem>>, vector<1x64xf32>,
      %get3A_371 = arith.constant 0 : index
      %get3A_372 = arith.index_cast %get3A_22 : i32 to index
      %get3A_373 = arith.constant 0 : index
      %get3A_374 = vector.load %arg5[%get3A_371, %get3A_372, %get3A_373] : memref<1x2048x64xf32, #tpu.memory_space<vmem>>, vector<1x1x64xf32>
      %get3A_375 = vector.shape_cast %get3A_374 : vector<1x1x64xf32> to vector<1x64xf32>
      %swap3A_376 = arith.constant 2 : index
      %swap3A_377 = arith.constant 0 : index
      %swap3A_378 = vector.load %arg8[%swap3A_376, %swap3A_377] : memref<8x64xf32, #tpu.memory_space<vmem>>, vector<1x64xf32>
      tpu.vector_store %arg8[%swap3A_376, %swap3A_377], %get3A_375 {strides = array<i32>} : memref<8x64xf32, #tpu.memory_space<vmem>>, vector<1x64xf32>,
      %get3A_379 = arith.constant 0 : index
      %get3A_380 = arith.index_cast %get3A_30 : i32 to index
      %get3A_381 = arith.constant 0 : index
      %get3A_382 = vector.load %arg4[%get3A_379, %get3A_380, %get3A_381] : memref<1x2048x64xf32, #tpu.memory_space<vmem>>, vector<1x1x64xf32>
      %get3A_383 = vector.shape_cast %get3A_382 : vector<1x1x64xf32> to vector<1x64xf32>
      %swap3A_384 = arith.constant 3 : index
      %swap3A_385 = arith.constant 0 : index
      %swap3A_386 = vector.load %arg7[%swap3A_384, %swap3A_385] : memref<8x64xf32, #tpu.memory_space<vmem>>, vector<1x64xf32>
      tpu.vector_store %arg7[%swap3A_384, %swap3A_385], %get3A_383 {strides = array<i32>} : memref<8x64xf32, #tpu.memory_space<vmem>>, vector<1x64xf32>,
      %get3A_387 = arith.constant 0 : index
      %get3A_388 = arith.index_cast %get3A_30 : i32 to index
      %get3A_389 = arith.constant 0 : index
      %get3A_390 = vector.load %arg5[%get3A_387, %get3A_388, %get3A_389] : memref<1x2048x64xf32, #tpu.memory_space<vmem>>, vector<1x1x64xf32>
      %get3A_391 = vector.shape_cast %get3A_390 : vector<1x1x64xf32> to vector<1x64xf32>
      %swap3A_392 = arith.constant 3 : index
      %swap3A_393 = arith.constant 0 : index
      %swap3A_394 = vector.load %arg8[%swap3A_392, %swap3A_393] : memref<8x64xf32, #tpu.memory_space<vmem>>, vector<1x64xf32>
      tpu.vector_store %arg8[%swap3A_392, %swap3A_393], %get3A_391 {strides = array<i32>} : memref<8x64xf32, #tpu.memory_space<vmem>>, vector<1x64xf32>,
      %get3A_395 = arith.constant 0 : index
      %get3A_396 = arith.constant 682 : index
      %get3A_397 = arith.constant 0 : index
      %get3A_398 = vector.load %arg4[%get3A_395, %get3A_396, %get3A_397] : memref<1x2048x64xf32, #tpu.memory_space<vmem>>, vector<1x1x64xf32>
      %get3A_399 = vector.shape_cast %get3A_398 : vector<1x1x64xf32> to vector<1x64xf32>
      %swap3A_400 = arith.constant 4 : index
      %swap3A_401 = arith.constant 0 : index
      %swap3A_402 = vector.load %arg7[%swap3A_400, %swap3A_401] : memref<8x64xf32, #tpu.memory_space<vmem>>, vector<1x64xf32>
      tpu.vector_store %arg7[%swap3A_400, %swap3A_401], %get3A_399 {strides = array<i32>} : memref<8x64xf32, #tpu.memory_space<vmem>>, vector<1x64xf32>,
      %get3A_403 = arith.constant 0 : index
      %get3A_404 = arith.constant 682 : index
      %get3A_405 = arith.constant 0 : index
      %get3A_406 = vector.load %arg5[%get3A_403, %get3A_404, %get3A_405] : memref<1x2048x64xf32, #tpu.memory_space<vmem>>, vector<1x1x64xf32>
      %get3A_407 = vector.shape_cast %get3A_406 : vector<1x1x64xf32> to vector<1x64xf32>
      %swap3A_408 = arith.constant 4 : index
      %swap3A_409 = arith.constant 0 : index
      %swap3A_410 = vector.load %arg8[%swap3A_408, %swap3A_409] : memref<8x64xf32, #tpu.memory_space<vmem>>, vector<1x64xf32>
      tpu.vector_store %arg8[%swap3A_408, %swap3A_409], %get3A_407 {strides = array<i32>} : memref<8x64xf32, #tpu.memory_space<vmem>>, vector<1x64xf32>,
      %get3A_411 = arith.constant 0 : index
      %get3A_412 = arith.constant 1365 : index
      %get3A_413 = arith.constant 0 : index
      %get3A_414 = vector.load %arg4[%get3A_411, %get3A_412, %get3A_413] : memref<1x2048x64xf32, #tpu.memory_space<vmem>>, vector<1x1x64xf32>
      %get3A_415 = vector.shape_cast %get3A_414 : vector<1x1x64xf32> to vector<1x64xf32>
      %swap3A_416 = arith.constant 5 : index
      %swap3A_417 = arith.constant 0 : index
      %swap3A_418 = vector.load %arg7[%swap3A_416, %swap3A_417] : memref<8x64xf32, #tpu.memory_space<vmem>>, vector<1x64xf32>
      tpu.vector_store %arg7[%swap3A_416, %swap3A_417], %get3A_415 {strides = array<i32>} : memref<8x64xf32, #tpu.memory_space<vmem>>, vector<1x64xf32>,
      %get3A_419 = arith.constant 0 : index
      %get3A_420 = arith.constant 1365 : index
      %get3A_421 = arith.constant 0 : index
      %get3A_422 = vector.load %arg5[%get3A_419, %get3A_420, %get3A_421] : memref<1x2048x64xf32, #tpu.memory_space<vmem>>, vector<1x1x64xf32>
      %get3A_423 = vector.shape_cast %get3A_422 : vector<1x1x64xf32> to vector<1x64xf32>
      %swap3A_424 = arith.constant 5 : index
      %swap3A_425 = arith.constant 0 : index
      %swap3A_426 = vector.load %arg8[%swap3A_424, %swap3A_425] : memref<8x64xf32, #tpu.memory_space<vmem>>, vector<1x64xf32>
      tpu.vector_store %arg8[%swap3A_424, %swap3A_425], %get3A_423 {strides = array<i32>} : memref<8x64xf32, #tpu.memory_space<vmem>>, vector<1x64xf32>,
      %get3A_427 = arith.constant 0 : index
      %get3A_428 = arith.constant 0 : index
      %get3A_429 = arith.constant 0 : index
      %get3A_430 = vector.load %arg4[%get3A_427, %get3A_428, %get3A_429] : memref<1x2048x64xf32, #tpu.memory_space<vmem>>, vector<1x1x64xf32>
      %get3A_431 = vector.shape_cast %get3A_430 : vector<1x1x64xf32> to vector<1x64xf32>
      %swap3A_432 = arith.constant 6 : index
      %swap3A_433 = arith.constant 0 : index
      %swap3A_434 = vector.load %arg7[%swap3A_432, %swap3A_433] : memref<8x64xf32, #tpu.memory_space<vmem>>, vector<1x64xf32>
      tpu.vector_store %arg7[%swap3A_432, %swap3A_433], %get3A_431 {strides = array<i32>} : memref<8x64xf32, #tpu.memory_space<vmem>>, vector<1x64xf32>,
      %get3A_435 = arith.constant 0 : index
      %get3A_436 = arith.constant 0 : index
      %get3A_437 = arith.constant 0 : index
      %get3A_438 = vector.load %arg5[%get3A_435, %get3A_436, %get3A_437] : memref<1x2048x64xf32, #tpu.memory_space<vmem>>, vector<1x1x64xf32>
      %get3A_439 = vector.shape_cast %get3A_438 : vector<1x1x64xf32> to vector<1x64xf32>
      %swap3A_440 = arith.constant 6 : index
      %swap3A_441 = arith.constant 0 : index
      %swap3A_442 = vector.load %arg8[%swap3A_440, %swap3A_441] : memref<8x64xf32, #tpu.memory_space<vmem>>, vector<1x64xf32>
      tpu.vector_store %arg8[%swap3A_440, %swap3A_441], %get3A_439 {strides = array<i32>} : memref<8x64xf32, #tpu.memory_space<vmem>>, vector<1x64xf32>,
      %get3A_443 = arith.constant 0 : index
      %get3A_444 = arith.constant 2047 : index
      %get3A_445 = arith.constant 0 : index
      %get3A_446 = vector.load %arg4[%get3A_443, %get3A_444, %get3A_445] : memref<1x2048x64xf32, #tpu.memory_space<vmem>>, vector<1x1x64xf32>
      %get3A_447 = vector.shape_cast %get3A_446 : vector<1x1x64xf32> to vector<1x64xf32>
      %swap3A_448 = arith.constant 7 : index
      %swap3A_449 = arith.constant 0 : index
      %swap3A_450 = vector.load %arg7[%swap3A_448, %swap3A_449] : memref<8x64xf32, #tpu.memory_space<vmem>>, vector<1x64xf32>
      tpu.vector_store %arg7[%swap3A_448, %swap3A_449], %get3A_447 {strides = array<i32>} : memref<8x64xf32, #tpu.memory_space<vmem>>, vector<1x64xf32>,
      %get3A_451 = arith.constant 0 : index
      %get3A_452 = arith.constant 2047 : index
      %get3A_453 = arith.constant 0 : index
      %get3A_454 = vector.load %arg5[%get3A_451, %get3A_452, %get3A_453] : memref<1x2048x64xf32, #tpu.memory_space<vmem>>, vector<1x1x64xf32>
      %get3A_455 = vector.shape_cast %get3A_454 : vector<1x1x64xf32> to vector<1x64xf32>
      %swap3A_456 = arith.constant 7 : index
      %swap3A_457 = arith.constant 0 : index
      %swap3A_458 = vector.load %arg8[%swap3A_456, %swap3A_457] : memref<8x64xf32, #tpu.memory_space<vmem>>, vector<1x64xf32>
      tpu.vector_store %arg8[%swap3A_456, %swap3A_457], %get3A_455 {strides = array<i32>} : memref<8x64xf32, #tpu.memory_space<vmem>>, vector<1x64xf32>,
    } else {
    }
    %get3A_97 = arith.constant 0 : index
    %get3A_98 = arith.constant 0 : index
    %get3A_99 = arith.constant 0 : index
    %get3A_100 = vector.load %arg3[%get3A_97, %get3A_98, %get3A_99] : memref<1x256x64xf32, #tpu.memory_space<vmem>>, vector<1x256x64xf32>
    %get3A_101 = vector.shape_cast %get3A_100 : vector<1x256x64xf32> to vector<256x64xf32>
    %sub3A = arith.constant 64 : i32
    %sub3A_102 = arith.subi %mul3A_0, %sub3A : i32
    %jit3A = arith.constant 0 : i32
    %jit3A_103 = arith.constant 1664 : i32
    %max3A = arith.maxsi %jit3A, %sub3A_102 : i32
    %min3A = arith.minsi %jit3A_103, %max3A : i32
    %get3A_104 = arith.constant 0 : index
    %get3A_105 = arith.index_cast %min3A : i32 to index
    %get3A_106 = arith.constant 0 : index
    %get3A_107 = vector.load %arg4[%get3A_104, %get3A_105, %get3A_106] : memref<1x2048x64xf32, #tpu.memory_space<vmem>>, vector<1x384x64xf32>
    %get3A_108 = vector.shape_cast %get3A_107 : vector<1x384x64xf32> to vector<384x64xf32>
    %get3A_109 = arith.constant 0 : index
    %get3A_110 = arith.index_cast %min3A : i32 to index
    %get3A_111 = arith.constant 0 : index
    %get3A_112 = vector.load %arg5[%get3A_109, %get3A_110, %get3A_111] : memref<1x2048x64xf32, #tpu.memory_space<vmem>>, vector<1x384x64xf32>
    %get3A_113 = vector.shape_cast %get3A_112 : vector<1x384x64xf32> to vector<384x64xf32>
    %dot_general3A = arith.constant dense<0.000000e+00> : vector<256x384xf32>
    %dot_general3A_114 = tpu.matmul %get3A_101, %get3A_108, %dot_general3A {dimension_numbers = #tpu.dot_dimension_numbers<[1], [1], [0], [0], [0, 0, 1, 0], [], []>, precision = #tpu.contract_precision<fp32>, transpose_lhs_hint = false} : vector<256x64xf32>, vector<384x64xf32>, vector<256x384xf32> -> vector<256x384xf32>
    %mul3A_115 = arith.constant 1.250000e-01 : f32
    %mul3A_116 = vector.broadcast %mul3A_115 : f32 to vector<256x384xf32>
    %mul3A_117 = arith.mulf %dot_general3A_114, %mul3A_116 : vector<256x384xf32>
    %iota3A_118 = tpu.iota {dimensions = array<i32: 0>} : vector<256x384xi32>
    %add3A_119 = vector.broadcast %mul3A_0 : i32 to vector<256x384xi32>
    %add3A_120 = arith.addi %add3A_119, %iota3A_118 : vector<256x384xi32>
    %iota3A_121 = tpu.iota {dimensions = array<i32: 1>} : vector<256x384xi32>
    %add3A_122 = vector.broadcast %min3A : i32 to vector<256x384xi32>
    %add3A_123 = arith.addi %add3A_122, %iota3A_121 : vector<256x384xi32>
    %sub3A_124 = arith.constant 32 : i32
    %sub3A_125 = vector.broadcast %sub3A_124 : i32 to vector<256x384xi32>
    %sub3A_126 = arith.subi %add3A_120, %sub3A_125 : vector<256x384xi32>
    %jit3A_127 = arith.constant 0 : i32
    %jit3A_128 = arith.constant 1984 : i32
    %max3A_129 = vector.broadcast %jit3A_127 : i32 to vector<256x384xi32>
    %max3A_130 = arith.maxsi %max3A_129, %sub3A_126 : vector<256x384xi32>
    %min3A_131 = vector.broadcast %jit3A_128 : i32 to vector<256x384xi32>
    %min3A_132 = arith.minsi %min3A_131, %max3A_130 : vector<256x384xi32>
    %ge3A = arith.cmpi sge, %add3A_123, %min3A_132 : vector<256x384xi32>
    %add3A_133 = arith.constant 64 : i32
    %add3A_134 = vector.broadcast %add3A_133 : i32 to vector<256x384xi32>
    %add3A_135 = arith.addi %min3A_132, %add3A_134 : vector<256x384xi32>
    %lt3A = arith.cmpi slt, %add3A_123, %add3A_135 : vector<256x384xi32>
    %and3A = arith.andi %ge3A, %lt3A : vector<256x384xi1>
    %sub3A_136 = arith.subi %add3A_123, %add3A_120 : vector<256x384xi32>
    %abs3A = math.absi %sub3A_136 : vector<256x384xi32>
    %convert_element_type3A_137 = arith.sitofp %abs3A : vector<256x384xi32> to vector<256x384xf32>
    %mul3A_138 = arith.constant 6.250000e-03 : f32
    %mul3A_139 = vector.broadcast %mul3A_138 : f32 to vector<256x384xf32>
    %mul3A_140 = arith.mulf %mul3A_139, %convert_element_type3A_137 : vector<256x384xf32>
    %sub3A_141 = arith.subf %mul3A_117, %mul3A_140 : vector<256x384xf32>
    %jit3A_142 = arith.constant 1.000000e+30 : f32
    %broadcast_in_dim3A_143 = vector.broadcast %jit3A_142 : f32 to vector<256x384xf32>
    %select_n3A_144 = arith.select %and3A, %sub3A_141, %broadcast_in_dim3A_143 : vector<256x384xi1>, vector<256x384xf32>
    %reduce_min3A = arith.constant dense<0x7F800000> : vector<256xf32>
    %reduce_min3A_145 = vector.multi_reduction <minimumf>, %select_n3A_144, %reduce_min3A [1] : vector<256x384xf32> to vector<256xf32>
    %broadcast_in_dim3A_146 = vector.shape_cast %reduce_min3A_145 : vector<256xf32> to vector<256x1xf32>
    %eq3A_147 = vector.broadcast %broadcast_in_dim3A_146 : vector<256x1xf32> to vector<256x384xf32>
    %eq3A_148 = arith.cmpf oeq, %select_n3A_144, %eq3A_147 : vector<256x384xf32>
    %jit3A_149 = arith.constant 1.000000e+30 : f32
    %broadcast_in_dim3A_150 = vector.broadcast %jit3A_149 : f32 to vector<256x384xf32>
    %select_n3A_151 = arith.select %eq3A_148, %broadcast_in_dim3A_150, %select_n3A_144 : vector<256x384xi1>, vector<256x384xf32>
    %reduce_min3A_152 = arith.constant dense<0x7F800000> : vector<256xf32>
    %reduce_min3A_153 = vector.multi_reduction <minimumf>, %select_n3A_151, %reduce_min3A_152 [1] : vector<256x384xf32> to vector<256xf32>
    %broadcast_in_dim3A_154 = vector.shape_cast %reduce_min3A_153 : vector<256xf32> to vector<256x1xf32>
    %eq3A_155 = vector.broadcast %broadcast_in_dim3A_154 : vector<256x1xf32> to vector<256x384xf32>
    %eq3A_156 = arith.cmpf oeq, %select_n3A_151, %eq3A_155 : vector<256x384xf32>
    %jit3A_157 = arith.constant 1.000000e+30 : f32
    %broadcast_in_dim3A_158 = vector.broadcast %jit3A_157 : f32 to vector<256x384xf32>
    %select_n3A_159 = arith.select %eq3A_156, %broadcast_in_dim3A_158, %select_n3A_151 : vector<256x384xi1>, vector<256x384xf32>
    %reduce_min3A_160 = arith.constant dense<0x7F800000> : vector<256xf32>
    %reduce_min3A_161 = vector.multi_reduction <minimumf>, %select_n3A_159, %reduce_min3A_160 [1] : vector<256x384xf32> to vector<256xf32>
    %broadcast_in_dim3A_162 = vector.shape_cast %reduce_min3A_161 : vector<256xf32> to vector<256x1xf32>
    %eq3A_163 = vector.broadcast %broadcast_in_dim3A_162 : vector<256x1xf32> to vector<256x384xf32>
    %eq3A_164 = arith.cmpf oeq, %select_n3A_159, %eq3A_163 : vector<256x384xf32>
    %jit3A_165 = arith.constant 1.000000e+30 : f32
    %broadcast_in_dim3A_166 = vector.broadcast %jit3A_165 : f32 to vector<256x384xf32>
    %select_n3A_167 = arith.select %eq3A_164, %broadcast_in_dim3A_166, %select_n3A_159 : vector<256x384xi1>, vector<256x384xf32>
    %reduce_min3A_168 = arith.constant dense<0x7F800000> : vector<256xf32>
    %reduce_min3A_169 = vector.multi_reduction <minimumf>, %select_n3A_167, %reduce_min3A_168 [1] : vector<256x384xf32> to vector<256xf32>
    %broadcast_in_dim3A_170 = vector.shape_cast %reduce_min3A_169 : vector<256xf32> to vector<256x1xf32>
    %eq3A_171 = vector.broadcast %broadcast_in_dim3A_170 : vector<256x1xf32> to vector<256x384xf32>
    %eq3A_172 = arith.cmpf oeq, %select_n3A_167, %eq3A_171 : vector<256x384xf32>
    %jit3A_173 = arith.constant 1.000000e+30 : f32
    %broadcast_in_dim3A_174 = vector.broadcast %jit3A_173 : f32 to vector<256x384xf32>
    %select_n3A_175 = arith.select %eq3A_172, %broadcast_in_dim3A_174, %select_n3A_167 : vector<256x384xi1>, vector<256x384xf32>
    %reduce_min3A_176 = arith.constant dense<0x7F800000> : vector<256xf32>
    %reduce_min3A_177 = vector.multi_reduction <minimumf>, %select_n3A_175, %reduce_min3A_176 [1] : vector<256x384xf32> to vector<256xf32>
    %broadcast_in_dim3A_178 = vector.shape_cast %reduce_min3A_177 : vector<256xf32> to vector<256x1xf32>
    %eq3A_179 = vector.broadcast %broadcast_in_dim3A_178 : vector<256x1xf32> to vector<256x384xf32>
    %eq3A_180 = arith.cmpf oeq, %select_n3A_175, %eq3A_179 : vector<256x384xf32>
    %jit3A_181 = arith.constant 1.000000e+30 : f32
    %broadcast_in_dim3A_182 = vector.broadcast %jit3A_181 : f32 to vector<256x384xf32>
    %select_n3A_183 = arith.select %eq3A_180, %broadcast_in_dim3A_182, %select_n3A_175 : vector<256x384xi1>, vector<256x384xf32>
    %reduce_min3A_184 = arith.constant dense<0x7F800000> : vector<256xf32>
    %reduce_min3A_185 = vector.multi_reduction <minimumf>, %select_n3A_183, %reduce_min3A_184 [1] : vector<256x384xf32> to vector<256xf32>
    %broadcast_in_dim3A_186 = vector.shape_cast %reduce_min3A_185 : vector<256xf32> to vector<256x1xf32>
    %eq3A_187 = vector.broadcast %broadcast_in_dim3A_186 : vector<256x1xf32> to vector<256x384xf32>
    %eq3A_188 = arith.cmpf oeq, %select_n3A_183, %eq3A_187 : vector<256x384xf32>
    %jit3A_189 = arith.constant 1.000000e+30 : f32
    %broadcast_in_dim3A_190 = vector.broadcast %jit3A_189 : f32 to vector<256x384xf32>
    %select_n3A_191 = arith.select %eq3A_188, %broadcast_in_dim3A_190, %select_n3A_183 : vector<256x384xi1>, vector<256x384xf32>
    %reduce_min3A_192 = arith.constant dense<0x7F800000> : vector<256xf32>
    %reduce_min3A_193 = vector.multi_reduction <minimumf>, %select_n3A_191, %reduce_min3A_192 [1] : vector<256x384xf32> to vector<256xf32>
    %broadcast_in_dim3A_194 = vector.shape_cast %reduce_min3A_193 : vector<256xf32> to vector<256x1xf32>
    %eq3A_195 = vector.broadcast %broadcast_in_dim3A_194 : vector<256x1xf32> to vector<256x384xf32>
    %eq3A_196 = arith.cmpf oeq, %select_n3A_191, %eq3A_195 : vector<256x384xf32>
    %jit3A_197 = arith.constant 1.000000e+30 : f32
    %broadcast_in_dim3A_198 = vector.broadcast %jit3A_197 : f32 to vector<256x384xf32>
    %select_n3A_199 = arith.select %eq3A_196, %broadcast_in_dim3A_198, %select_n3A_191 : vector<256x384xi1>, vector<256x384xf32>
    %reduce_min3A_200 = arith.constant dense<0x7F800000> : vector<256xf32>
    %reduce_min3A_201 = vector.multi_reduction <minimumf>, %select_n3A_199, %reduce_min3A_200 [1] : vector<256x384xf32> to vector<256xf32>
    %broadcast_in_dim3A_202 = vector.shape_cast %reduce_min3A_201 : vector<256xf32> to vector<256x1xf32>
    %eq3A_203 = vector.broadcast %broadcast_in_dim3A_202 : vector<256x1xf32> to vector<256x384xf32>
    %eq3A_204 = arith.cmpf oeq, %select_n3A_199, %eq3A_203 : vector<256x384xf32>
    %jit3A_205 = arith.constant 1.000000e+30 : f32
    %broadcast_in_dim3A_206 = vector.broadcast %jit3A_205 : f32 to vector<256x384xf32>
    %select_n3A_207 = arith.select %eq3A_204, %broadcast_in_dim3A_206, %select_n3A_199 : vector<256x384xi1>, vector<256x384xf32>
    %reduce_min3A_208 = arith.constant dense<0x7F800000> : vector<256xf32>
    %reduce_min3A_209 = vector.multi_reduction <minimumf>, %select_n3A_207, %reduce_min3A_208 [1] : vector<256x384xf32> to vector<256xf32>
    %broadcast_in_dim3A_210 = vector.shape_cast %reduce_min3A_209 : vector<256xf32> to vector<256x1xf32>
    %eq3A_211 = vector.broadcast %broadcast_in_dim3A_210 : vector<256x1xf32> to vector<256x384xf32>
    %eq3A_212 = arith.cmpf oeq, %select_n3A_207, %eq3A_211 : vector<256x384xf32>
    %jit3A_213 = arith.constant 1.000000e+30 : f32
    %broadcast_in_dim3A_214 = vector.broadcast %jit3A_213 : f32 to vector<256x384xf32>
    %select_n3A_215 = arith.select %eq3A_212, %broadcast_in_dim3A_214, %select_n3A_207 : vector<256x384xi1>, vector<256x384xf32>
    %reduce_min3A_216 = arith.constant dense<0x7F800000> : vector<256xf32>
    %reduce_min3A_217 = vector.multi_reduction <minimumf>, %select_n3A_215, %reduce_min3A_216 [1] : vector<256x384xf32> to vector<256xf32>
    %broadcast_in_dim3A_218 = vector.shape_cast %reduce_min3A_217 : vector<256xf32> to vector<256x1xf32>
    %eq3A_219 = vector.broadcast %broadcast_in_dim3A_218 : vector<256x1xf32> to vector<256x384xf32>
    %eq3A_220 = arith.cmpf oeq, %select_n3A_215, %eq3A_219 : vector<256x384xf32>
    %jit3A_221 = arith.constant 1.000000e+30 : f32
    %broadcast_in_dim3A_222 = vector.broadcast %jit3A_221 : f32 to vector<256x384xf32>
    %select_n3A_223 = arith.select %eq3A_220, %broadcast_in_dim3A_222, %select_n3A_215 : vector<256x384xi1>, vector<256x384xf32>
    %reduce_min3A_224 = arith.constant dense<0x7F800000> : vector<256xf32>
    %reduce_min3A_225 = vector.multi_reduction <minimumf>, %select_n3A_223, %reduce_min3A_224 [1] : vector<256x384xf32> to vector<256xf32>
    %broadcast_in_dim3A_226 = vector.shape_cast %reduce_min3A_225 : vector<256xf32> to vector<256x1xf32>
    %eq3A_227 = vector.broadcast %broadcast_in_dim3A_226 : vector<256x1xf32> to vector<256x384xf32>
    %eq3A_228 = arith.cmpf oeq, %select_n3A_223, %eq3A_227 : vector<256x384xf32>
    %jit3A_229 = arith.constant 1.000000e+30 : f32
    %broadcast_in_dim3A_230 = vector.broadcast %jit3A_229 : f32 to vector<256x384xf32>
    %select_n3A_231 = arith.select %eq3A_228, %broadcast_in_dim3A_230, %select_n3A_223 : vector<256x384xi1>, vector<256x384xf32>
    %reduce_min3A_232 = arith.constant dense<0x7F800000> : vector<256xf32>
    %reduce_min3A_233 = vector.multi_reduction <minimumf>, %select_n3A_231, %reduce_min3A_232 [1] : vector<256x384xf32> to vector<256xf32>
    %broadcast_in_dim3A_234 = vector.shape_cast %reduce_min3A_233 : vector<256xf32> to vector<256x1xf32>
    %eq3A_235 = vector.broadcast %broadcast_in_dim3A_234 : vector<256x1xf32> to vector<256x384xf32>
    %eq3A_236 = arith.cmpf oeq, %select_n3A_231, %eq3A_235 : vector<256x384xf32>
    %jit3A_237 = arith.constant 1.000000e+30 : f32
    %broadcast_in_dim3A_238 = vector.broadcast %jit3A_237 : f32 to vector<256x384xf32>
    %select_n3A_239 = arith.select %eq3A_236, %broadcast_in_dim3A_238, %select_n3A_231 : vector<256x384xi1>, vector<256x384xf32>
    %reduce_min3A_240 = arith.constant dense<0x7F800000> : vector<256xf32>
    %reduce_min3A_241 = vector.multi_reduction <minimumf>, %select_n3A_239, %reduce_min3A_240 [1] : vector<256x384xf32> to vector<256xf32>
    %broadcast_in_dim3A_242 = vector.shape_cast %reduce_min3A_241 : vector<256xf32> to vector<256x1xf32>
    %eq3A_243 = vector.broadcast %broadcast_in_dim3A_242 : vector<256x1xf32> to vector<256x384xf32>
    %eq3A_244 = arith.cmpf oeq, %select_n3A_239, %eq3A_243 : vector<256x384xf32>
    %jit3A_245 = arith.constant 1.000000e+30 : f32
    %broadcast_in_dim3A_246 = vector.broadcast %jit3A_245 : f32 to vector<256x384xf32>
    %select_n3A_247 = arith.select %eq3A_244, %broadcast_in_dim3A_246, %select_n3A_239 : vector<256x384xi1>, vector<256x384xf32>
    %reduce_min3A_248 = arith.constant dense<0x7F800000> : vector<256xf32>
    %reduce_min3A_249 = vector.multi_reduction <minimumf>, %select_n3A_247, %reduce_min3A_248 [1] : vector<256x384xf32> to vector<256xf32>
    %broadcast_in_dim3A_250 = vector.shape_cast %reduce_min3A_249 : vector<256xf32> to vector<256x1xf32>
    %eq3A_251 = vector.broadcast %broadcast_in_dim3A_250 : vector<256x1xf32> to vector<256x384xf32>
    %eq3A_252 = arith.cmpf oeq, %select_n3A_247, %eq3A_251 : vector<256x384xf32>
    %jit3A_253 = arith.constant 1.000000e+30 : f32
    %broadcast_in_dim3A_254 = vector.broadcast %jit3A_253 : f32 to vector<256x384xf32>
    %select_n3A_255 = arith.select %eq3A_252, %broadcast_in_dim3A_254, %select_n3A_247 : vector<256x384xi1>, vector<256x384xf32>
    %reduce_min3A_256 = arith.constant dense<0x7F800000> : vector<256xf32>
    %reduce_min3A_257 = vector.multi_reduction <minimumf>, %select_n3A_255, %reduce_min3A_256 [1] : vector<256x384xf32> to vector<256xf32>
    %broadcast_in_dim3A_258 = vector.shape_cast %reduce_min3A_257 : vector<256xf32> to vector<256x1xf32>
    %eq3A_259 = vector.broadcast %broadcast_in_dim3A_258 : vector<256x1xf32> to vector<256x384xf32>
    %eq3A_260 = arith.cmpf oeq, %select_n3A_255, %eq3A_259 : vector<256x384xf32>
    %jit3A_261 = arith.constant 1.000000e+30 : f32
    %broadcast_in_dim3A_262 = vector.broadcast %jit3A_261 : f32 to vector<256x384xf32>
    %select_n3A_263 = arith.select %eq3A_260, %broadcast_in_dim3A_262, %select_n3A_255 : vector<256x384xi1>, vector<256x384xf32>
    %reduce_min3A_264 = arith.constant dense<0x7F800000> : vector<256xf32>
    %reduce_min3A_265 = vector.multi_reduction <minimumf>, %select_n3A_263, %reduce_min3A_264 [1] : vector<256x384xf32> to vector<256xf32>
    %broadcast_in_dim3A_266 = vector.shape_cast %reduce_min3A_265 : vector<256xf32> to vector<256x1xf32>
    %eq3A_267 = vector.broadcast %broadcast_in_dim3A_266 : vector<256x1xf32> to vector<256x384xf32>
    %eq3A_268 = arith.cmpf oeq, %select_n3A_263, %eq3A_267 : vector<256x384xf32>
    %jit3A_269 = arith.constant 1.000000e+30 : f32
    %broadcast_in_dim3A_270 = vector.broadcast %jit3A_269 : f32 to vector<256x384xf32>
    %select_n3A_271 = arith.select %eq3A_268, %broadcast_in_dim3A_270, %select_n3A_263 : vector<256x384xi1>, vector<256x384xf32>
    %lt3A_272 = arith.constant 5.000000e+29 : f32
    %lt3A_273 = vector.broadcast %lt3A_272 : f32 to vector<256x384xf32>
    %lt3A_274 = arith.cmpf olt, %select_n3A_271, %lt3A_273 : vector<256x384xf32>
    %jit3A_275 = arith.constant -1.000000e+30 : f32
    %broadcast_in_dim3A_276 = vector.broadcast %jit3A_275 : f32 to vector<256x384xf32>
    %select_n3A_277 = arith.select %lt3A_274, %sub3A_141, %broadcast_in_dim3A_276 : vector<256x384xi1>, vector<256x384xf32>
    %get3A_278 = arith.constant 0 : index
    %get3A_279 = arith.constant 0 : index
    %get3A_280 = vector.load %arg7[%get3A_278, %get3A_279] : memref<8x64xf32, #tpu.memory_space<vmem>>, vector<8x64xf32>
    %dot_general3A_281 = arith.constant dense<0.000000e+00> : vector<256x8xf32>
    %dot_general3A_282 = tpu.matmul %get3A_101, %get3A_280, %dot_general3A_281 {dimension_numbers = #tpu.dot_dimension_numbers<[1], [1], [0], [0], [0, 0, 1, 0], [], []>, precision = #tpu.contract_precision<fp32>, transpose_lhs_hint = false} : vector<256x64xf32>, vector<8x64xf32>, vector<256x8xf32> -> vector<256x8xf32>
    %mul3A_283 = arith.constant 1.250000e-01 : f32
    %mul3A_284 = vector.broadcast %mul3A_283 : f32 to vector<256x8xf32>
    %mul3A_285 = arith.mulf %dot_general3A_282, %mul3A_284 : vector<256x8xf32>
    %iota3A_286 = tpu.iota {dimensions = array<i32: 0>} : vector<256x8xi32>
    %add3A_287 = vector.broadcast %mul3A_0 : i32 to vector<256x8xi32>
    %add3A_288 = arith.addi %add3A_287, %iota3A_286 : vector<256x8xi32>
    %convert_element_type3A_289 = arith.sitofp %add3A_288 : vector<256x8xi32> to vector<256x8xf32>
    %sub3A_290 = vector.broadcast %select_n3A_92 : vector<1x8xf32> to vector<256x8xf32>
    %sub3A_291 = arith.subf %sub3A_290, %convert_element_type3A_289 : vector<256x8xf32>
    %abs3A_292 = math.absf %sub3A_291 : vector<256x8xf32>
    %mul3A_293 = arith.constant 6.250000e-03 : f32
    %mul3A_294 = vector.broadcast %mul3A_293 : f32 to vector<256x8xf32>
    %mul3A_295 = arith.mulf %mul3A_294, %abs3A_292 : vector<256x8xf32>
    %sub3A_296 = arith.subf %mul3A_285, %mul3A_295 : vector<256x8xf32>
    %reduce_max3A = arith.constant dense<0xFF800000> : vector<256xf32>
    %reduce_max3A_297 = vector.multi_reduction <maximumf>, %select_n3A_277, %reduce_max3A [1] : vector<256x384xf32> to vector<256xf32>
    %broadcast_in_dim3A_298 = vector.shape_cast %reduce_max3A_297 : vector<256xf32> to vector<256x1xf32>
    %reduce_max3A_299 = arith.constant dense<0xFF800000> : vector<256xf32>
    %reduce_max3A_300 = vector.multi_reduction <maximumf>, %sub3A_296, %reduce_max3A_299 [1] : vector<256x8xf32> to vector<256xf32>
    %broadcast_in_dim3A_301 = vector.shape_cast %reduce_max3A_300 : vector<256xf32> to vector<256x1xf32>
    %max3A_302 = arith.maximumf %broadcast_in_dim3A_298, %broadcast_in_dim3A_301 : vector<256x1xf32>
    %sub3A_303 = vector.broadcast %max3A_302 : vector<256x1xf32> to vector<256x384xf32>
    %sub3A_304 = arith.subf %select_n3A_277, %sub3A_303 : vector<256x384xf32>
    %exp3A = math.exp %sub3A_304 : vector<256x384xf32>
    %jit3A_305 = arith.constant 0.000000e+00 : f32
    %broadcast_in_dim3A_306 = vector.broadcast %jit3A_305 : f32 to vector<256x384xf32>
    %select_n3A_307 = arith.select %lt3A_274, %exp3A, %broadcast_in_dim3A_306 : vector<256x384xi1>, vector<256x384xf32>
    %sub3A_308 = vector.broadcast %max3A_302 : vector<256x1xf32> to vector<256x8xf32>
    %sub3A_309 = arith.subf %sub3A_296, %sub3A_308 : vector<256x8xf32>
    %exp3A_310 = math.exp %sub3A_309 : vector<256x8xf32>
    %reduce_sum3A = arith.constant dense<0.000000e+00> : vector<256xf32>
    %reduce_sum3A_311 = vector.multi_reduction <add>, %select_n3A_307, %reduce_sum3A [1] : vector<256x384xf32> to vector<256xf32>
    %broadcast_in_dim3A_312 = vector.shape_cast %reduce_sum3A_311 : vector<256xf32> to vector<256x1xf32>
    %reduce_sum3A_313 = arith.constant dense<0.000000e+00> : vector<256xf32>
    %reduce_sum3A_314 = vector.multi_reduction <add>, %exp3A_310, %reduce_sum3A_313 [1] : vector<256x8xf32> to vector<256xf32>
    %broadcast_in_dim3A_315 = vector.shape_cast %reduce_sum3A_314 : vector<256xf32> to vector<256x1xf32>
    %add3A_316 = arith.addf %broadcast_in_dim3A_312, %broadcast_in_dim3A_315 : vector<256x1xf32>
    %dot_general3A_317 = arith.constant dense<0.000000e+00> : vector<256x64xf32>
    %dot_general3A_318 = tpu.matmul %select_n3A_307, %get3A_113, %dot_general3A_317 {dimension_numbers = #tpu.dot_dimension_numbers<[1], [0], [0], [1], [0, 0, 1, 1], [], []>, precision = #tpu.contract_precision<fp32>, transpose_lhs_hint = false} : vector<256x384xf32>, vector<384x64xf32>, vector<256x64xf32> -> vector<256x64xf32>
    %get3A_319 = arith.constant 0 : index
    %get3A_320 = arith.constant 0 : index
    %get3A_321 = vector.load %arg8[%get3A_319, %get3A_320] : memref<8x64xf32, #tpu.memory_space<vmem>>, vector<8x64xf32>
    %dot_general3A_322 = arith.constant dense<0.000000e+00> : vector<256x64xf32>
    %dot_general3A_323 = tpu.matmul %exp3A_310, %get3A_321, %dot_general3A_322 {dimension_numbers = #tpu.dot_dimension_numbers<[1], [0], [0], [1], [0, 0, 1, 1], [], []>, precision = #tpu.contract_precision<fp32>, transpose_lhs_hint = false} : vector<256x8xf32>, vector<8x64xf32>, vector<256x64xf32> -> vector<256x64xf32>
    %add3A_324 = arith.addf %dot_general3A_318, %dot_general3A_323 : vector<256x64xf32>
    %div3A = vector.broadcast %add3A_316 : vector<256x1xf32> to vector<256x64xf32>
    %div3A_325 = arith.divf %add3A_324, %div3A : vector<256x64xf32>
    %swap3A = arith.constant 0 : index
    %swap3A_326 = arith.constant 0 : index
    %swap3A_327 = arith.constant 0 : index
    %swap3A_328 = vector.load %arg6[%swap3A, %swap3A_326, %swap3A_327] : memref<1x256x64xf32, #tpu.memory_space<vmem>>, vector<1x256x64xf32>
    %swap3A_329 = vector.shape_cast %swap3A_328 : vector<1x256x64xf32> to vector<256x64xf32>
    %swap3A_330 = vector.shape_cast %div3A_325 : vector<256x64xf32> to vector<1x256x64xf32>
    tpu.vector_store %arg6[%swap3A, %swap3A_326, %swap3A_327], %swap3A_330 {strides = array<i32>} : memref<1x256x64xf32, #tpu.memory_space<vmem>>, vector<1x256x64xf32>,
    return
  }
  func.func @transform_0(%arg0: i32, %arg1: i32, %arg2: memref<768xi32, #tpu.memory_space<smem>>) -> (i32, i32, i32) {
    %c0_i32 = arith.constant 0 : i32
    %c0_i32_0 = arith.constant 0 : i32
    return %arg0, %arg1, %c0_i32 : i32, i32, i32
  }
  func.func @transform_1(%arg0: i32, %arg1: i32, %arg2: memref<768xi32, #tpu.memory_space<smem>>) -> (i32, i32, i32) {
    %c0_i32 = arith.constant 0 : i32
    %c0_i32_0 = arith.constant 0 : i32
    %c0_i32_1 = arith.constant 0 : i32
    return %arg0, %c0_i32, %c0_i32_0 : i32, i32, i32
  }
  func.func @transform_2(%arg0: i32, %arg1: i32, %arg2: memref<768xi32, #tpu.memory_space<smem>>) -> (i32, i32, i32) {
    %c0_i32 = arith.constant 0 : i32
    %c0_i32_0 = arith.constant 0 : i32
    %c0_i32_1 = arith.constant 0 : i32
    return %arg0, %c0_i32, %c0_i32_0 : i32, i32, i32
  }
  func.func @transform_3(%arg0: i32, %arg1: i32, %arg2: memref<768xi32, #tpu.memory_space<smem>>) -> (i32, i32, i32) {
    %c0_i32 = arith.constant 0 : i32
    %c0_i32_0 = arith.constant 0 : i32
    return %arg0, %arg1, %c0_i32 : i32, i32, i32
  }
}

</mosaic_0001>

<sc_bundles>
// kernel: _run.5.cloned.1.call-start
scs
__scs_entry_jumppad:
0x0: {  	(pc) =	sbr.rel $0x88, $3  }
0x1: {  	(tag) =	ssettag $0x0;
	lr =	simm.s32 $0x1  }
0x2: {  	[smem:$0x3F9A] =	sst lr;
	_ =	strace $0xD0000000  }
0x3: {  	_ = 	snop  }
0x4: {  	_ = 	snop  }
0x5: {  	_ = 	snop  }
0x6: {  	_ = 	snop  }
0x7: {  	_ = 	snop  }
__scs_overlays_trampoline_lowered:
0x8: {  	[smem:$0x3FA9] =	sst s0  }
0x9: {  	[smem:$0x3FAA] =	sst s1  }
0xa: {  	[smem:$0x3FAB] =	sst s2  }
0xb: {  	[smem:$0x3FAC] =	sst s3  }
0xc: {  	[smem:$0x3FAD] =	sst s4  }
0xd: {  	[smem:$0x3FAE] =	sst s5  }
0xe: {  	[smem:$0x3FAF] =	sst s6  }
0xf: {  	[smem:$0x3FB0] =	sst s7  }
0x10: {  	[smem:$0x3FB1] =	sst s8  }
0x11: {  	[smem:$0x3FB2] =	sst s9;
	s0 =	simm.s32 @!p0 $0x0  }
0x12: {  	s1 =	sld [smem:$0x3F98];
	s0 =	simm.s32 @p0 $0x1  }
0x13: {  	[smem:$0x3FB3] =	sst s0;
	s0 =	simm.s32 @!p1 $0x0  }
0x14: {  	s2 =	sld [smem:$0x3F97];
	s0 =	simm.s32 @p1 $0x1  }
0x15: {  	[smem:$0x3FB4] =	sst s0;
	s0 =	simm.s32 @!p2 $0x0  }
0x16: {  	s3 =	sld [smem:$0x3FDB];
	s0 =	simm.s32 @p2 $0x1  }
0x17: {  	s4 =	simm.s32 $0x1BF5;
	[smem:$0x3FB6] =	sst s0  }
0x18: {  	s0 =	sld [smem:$0x3F99];
	_ =	swait.ge [sflag:s4], $0x0  }
0x19: {  	s7 =	sld [smem:$0x3F9A]  }
0x1a: {  	s8 =	sadd.s32 $0xFFFFE003, lr  }
0x1b: {  	s9 =	sadd.s32 $0xFFFFFEF7, lr;
	s5 =	simm.s32 $0xFFFFFFFF;
	p2 =	slt.u32 s8, $0xFFFFF086  }
0x1c: {  	p1 =	slt.u32 s9, $0xF7A;
	s5 =	simm.s32 @!p2 $0x0  }
0x1d: {  	s5 =	simm.s32 @p1 $0x1;
	p0 =	seq.s32 s7, s2  }
0x1e: {  	s7 =	smul.u32 @!p0 $0xF7A, s2;
	p2 =	seq.s32 @!p0 s5, $0x0  }
0x1f: {  	s9 =	smul.u32 $0xF7A, s1;
	s8 =	simm.s32 @!p0 $0x1BF5;
	p2 =	por !p2, p0  }
0x20: {  	[sflag:s8] =	ssyncset.s32 @!p0 $0xFFFFF086;
	s6 =	sadd.s32 @!p0 s3, s7;
	s7 =	simm.s32 @!p0 $0x108  }
0x21: {  	s3 =	sadd.s32 s3, s9;
	s6 =	sadd.s32 @!p0 $0x88, s6;
	s7 =	simm.s32 @p2 $0x1082  }
0x22: {  	[simem:s7], [sflag:s8] =	dma.local @!p0 [hbm:s6], $0xF7A  }
0x23: {  	s9 =	sor.u32 $0xD0000000, s2;
	s6 =	simm.s32 $0x108;
	_ =	swait.ge @!p0 [sflag:s8], $0x0  }
0x24: {  	s3 =	sadd.s32 $0x88, s3;
	s6 =	simm.s32 @!p1 $0x1082;
	[sflag:s4] =	ssyncset.s32 $0xFFFFF086  }
0x25: {  	[simem:s6], [sflag:s4] =	dma.local [hbm:s3], $0xF7A  }
0x26: {  	[smem:$0x3F9A] =	sst s1;
	(tag) =	ssettag s2;
	_ =	strace s9  }
0x27: {  	s1 =	sld [smem:$0x3FAA]  }
0x28: {  	s2 =	sld [smem:$0x3FAB]  }
0x29: {  	s4 =	sld [smem:$0x3FAD]  }
0x2a: {  	p0 =	seq.s32 s5, $0x0;
	s5 =	sld [smem:$0x3FAE]  }
0x2b: {  	s6 =	sld [smem:$0x3FAF]  }
0x2c: {  	s7 =	sld [smem:$0x3FB0]  }
0x2d: {  	s3 =	simm.s32 $0x108;
	s8 =	sld [smem:$0x3FB1]  }
0x2e: {  	s3 =	simm.s32 @!p0 $0x1082;
	s9 =	sld [smem:$0x3FB2]  }
0x2f: {  	lr =	sadd.s32 s0, s3;
	s0 =	sld [smem:$0x3FA9]  }
0x30: {  	s3 =	sld [smem:$0x3FAC]  }
0x31: {  	[smem:$0x3FB5] =	sst s10  }
0x32: {  	s10 =	sld [smem:$0x3FB3];
	_ =	sdelay $0x3  }
0x33: {  	p0 =	seq.s32 s10, $0x1;
	s10 =	sld [smem:$0x3FB5];
	_ =	sdelay $0x3  }
0x34: {  	[smem:$0x3FB5] =	sst s10  }
0x35: {  	s10 =	sld [smem:$0x3FB4];
	_ =	sdelay $0x3  }
0x36: {  	p1 =	seq.s32 s10, $0x1;
	s10 =	sld [smem:$0x3FB5];
	_ =	sdelay $0x3  }
0x37: {  	[smem:$0x3FB5] =	sst s10  }
0x38: {  	s10 =	sld [smem:$0x3FB6]  }
0x39: {  	_ = 	snop;
	(pc) =	sbr.ind lr, $3  }
0x3a: {  	_ = 	snop  }
0x3b: {  	_ = 	snop  }
0x3c: {  	p2 =	seq.s32 s10, $0x1;
	s10 =	sld [smem:$0x3FB5]  }
0x3d: {  	_ =	shalt  }
0x3e: {  	_ =	shalt  }
0x3f: {  	_ =	shalt  }
0x40: {  	_ =	shalt  }
0x41: {  	_ =	shalt  }
0x42: {  	_ =	shalt  }
0x43: {  	_ =	shalt  }
0x44: {  	_ =	shalt  }
0x45: {  	_ =	shalt  }
0x46: {  	_ =	shalt  }
0x47: {  	_ =	shalt  }
0x48: {  	_ =	shalt  }
0x49: {  	_ =	shalt  }
0x4a: {  	_ =	shalt  }
0x4b: {  	_ =	shalt  }
0x4c: {  	_ =	shalt  }
0x4d: {  	_ =	shalt  }
0x4e: {  	_ =	shalt  }
0x4f: {  	_ =	shalt  }
0x50: {  	_ =	shalt  }
0x51: {  	_ =	shalt  }
0x52: {  	_ =	shalt  }
0x53: {  	_ =	shalt  }
0x54: {  	_ =	shalt  }
0x55: {  	_ =	shalt  }
0x56: {  	_ =	shalt  }
0x57: {  	_ =	shalt  }
0x58: {  	_ =	shalt  }
0x59: {  	_ =	shalt  }
0x5a: {  	_ =	shalt  }
0x5b: {  	_ =	shalt  }
0x5c: {  	_ =	shalt  }
0x5d: {  	_ =	shalt  }
0x5e: {  	_ =	shalt  }
0x5f: {  	_ =	shalt  }
0x60: {  	_ =	shalt  }
0x61: {  	_ =	shalt  }
0x62: {  	_ =	shalt  }
0x63: {  	_ =	shalt  }
0x64: {  	_ =	shalt  }
0x65: {  	_ =	shalt  }
0x66: {  	_ =	shalt  }
0x67: {  	_ =	shalt  }
0x68: {  	_ =	shalt  }
0x69: {  	_ =	shalt  }
0x6a: {  	_ =	shalt  }
0x6b: {  	_ =	shalt  }
0x6c: {  	_ =	shalt  }
0x6d: {  	_ =	shalt  }
0x6e: {  	_ =	shalt  }
0x6f: {  	_ =	shalt  }
0x70: {  	_ =	shalt  }
0x71: {  	_ =	shalt  }
0x72: {  	_ =	shalt  }
0x73: {  	_ =	shalt  }
0x74: {  	_ =	shalt  }
0x75: {  	_ =	shalt  }
0x76: {  	_ =	shalt  }
0x77: {  	_ =	shalt  }
0x78: {  	_ =	shalt  }
0x79: {  	_ =	shalt  }
0x7a: {  	_ =	shalt  }
0x7b: {  	_ =	shalt  }
0x7c: {  	_ =	shalt  }
0x7d: {  	_ =	shalt  }
0x7e: {  	_ =	shalt  }
0x7f: {  	_ =	shalt  }
0x80: {  	_ =	shalt  }
0x81: {  	_ =	shalt  }
0x82: {  	_ =	shalt  }
0x83: {  	_ =	shalt  }
0x84: {  	_ =	shalt  }
0x85: {  	_ =	shalt  }
0x86: {  	_ =	shalt  }
0x87: {  	_ =	shalt  }
.Lfunc_end0:
.L_simem_size_0:
called_computation_lowered:
.L_overlay_start_0:
0x88: {  	s2 =	sld [smem:$0x3FD9]  }
0x89: {  	s3 =	sld [smem:$0x3FFE];
	_ =	sdelay $0x1  }
0x8a: {  	s1 =	srdreg.scid  }
0x8b: {  	s0 =	sand.u32 $0x1, s1  }
0x8c: {  	s17 =	sshll.u32 s0, $0xA;
	s2 =	sadd.s32 s3, s2  }
0x8d: {  	s2 =	sadd.s32 s2, s17  }
0x8e: {  	[smem:$0x3FC1] =	sst s2  }
0x8f: {  	_ = 	snop  }
0x90: {  	s2 =	sld [smem:$0x3FD0];
	(tm) =	ssettm $0x1  }
0x91: {  	s18 =	sld [smem:$0x3FFB];
	_ =	sdelay $0x3  }
0x92: {  	_ =	strace s18  }
0x93: {  	s3 =	sld [smem:$0x3FFC];
	_ =	sdelay $0x3  }
0x94: {  	_ =	strace s3  }
0x95: {  	s3 =	sld [smem:$0x3FFD];
	_ =	sdelay $0x3  }
0x96: {  	_ =	strace s3  }
0x97: {  	_ =	strace $0x8FFFFFFF  }
0x98: {  	s19 =	sld [smem:$0x3FDB];
	_ =	sdelay $0x1  }
0x99: {  	s4 =	simm.s32 $_scs_section_size  }
0x9a: {  	s5 =	simm.s32 $_size__tile_overlayer_lowered;
	s6 =	simm.s32 $_tile_overlayer_lowered  }
0x9b: {  	s22 =	simm.s32 $0x1BFF;
	s21 =	sshll.u32 s6, $0x1;
	s3 =	sadd.s32 s4, s19  }
0x9c: {  	s7 =	simm.s32 $0x0;
	s20 =	sshll.u32 s5, $0x1;
	s5 =	sadd.s32 s21, s3  }
0x9d: {  	[timem:s7], [sflag:s22] =	dma.local [hbm:s5], s20  }
0x9e: {  	_ =	swait.ge [sflag:s22], s20  }
0x9f: {  	s4 =	ssub.s32 $0x0, s20;
	[sflag:s22] =	ssyncset.done $0x0  }
0xa0: {  	[sflag:s22] =	ssyncadd.s32 s4;
	_ =	sdelay $0x1  }
0xa1: {  	s23 =	simm.s32 $0x1B8B  }
0xa2: {  	_ =	swait.ge [sflag:s23], $0x1  }
0xa3: {  	[sflag:s23] =	ssyncset.done $0x0  }
0xa4: {  	s25 =	simm.s32 $0x1B8E;
	s24 =	sld [smem:$0x3FFE];
	[sflag:s23] =	ssyncadd.s32 $0xFFFFFFFF  }
0xa5: {  	s26 =	simm.s32 $execute0_lowered;
	[smem:$0x3FD2] =	sst s25  }
0xa6: {  	s5 =	sshll.u32 s26, $0x1;
	_ =	strace $0x80000046;
	[dreg:$0x1] =	wrdreg $0xFFFFFFFF  }
0xa7: {  	s28 =	simm.s32 $_size_execute0_lowered;
	s3 =	sadd.s32 s3, s5;
	[dreg:$0x0] =	wrdreg $0x0  }
0xa8: {  	s5 =	sshll.u32 s28, $0x1;
	[dreg:$0x2] =	wrdreg s3  }
0xa9: {  	[dreg:$0x3] =	wrdreg s5  }
0xaa: {  	[dreg:$0x4] =	wrdreg $0xC0  }
0xab: {  	_ =	task [dreg:s7], $0x5FFFF  }
0xac: {  	[dreg:$0x1] =	wrdreg $0xFFFFFFFF  }
0xad: {  	[dreg:$0x0] =	wrdreg $0x60  }
0xae: {  	[dreg:$0x2] =	wrdreg s2  }
0xaf: {  	[dreg:$0x3] =	wrdreg s24  }
0xb0: {  	[dreg:$0x4] =	wrdreg $0x9  }
0xb1: {  	_ =	task.clear_ibuf [dreg:s7], $0x5FFFF;
	_ =	strace $0x90000046  }
0xb2: {  	s29 =	simm.s32 $0x9;
	_ =	strace $0x80000048  }
0xb3: {  	_ =	swait.ge [sflag:s29], $0x1  }
0xb4: {  	[sflag:s29] =	ssyncadd.s32 $0xFFFFFFFF  }
0xb5: {  	_ =	strace $0x90000048  }
0xb6: {  	_ =	sfence  }
0xb7: {  	s30 =	sld [smem:$0x0];
	_ =	sdelay $0x2  }
0xb8: {  	s31 =	sshll.u32 s1, $0xD;
	s1 =	sshrl.u32 s1, $0x2  }
0xb9: {  	s3 =	sand.u32 $0x4000, s31;
	s1 =	sadd.s32 s1, s30  }
0xba: {  	s0 =	sor.u32 s3, s0;
	s1 =	sshll.u32 s1, $0x11  }
0xbb: {  	s0 =	sor.u32 s1, s0  }
0xbc: {  	s0 =	sadd.s32 $0x8F2B, s0  }
0xbd: {  	[sflag:s0] =	ssyncadd.remote.s32 $0x1  }
0xbe: {  	_ =	sfence.sel $0xFFFF  }
0xbf: {  	[dreg:$0x0] =	wrdreg $0xFFFFFFFF;
	(pc) =	sbr.abs _section_cstart, $3  }
0xc0: {  	[dreg:$0x1] =	wrdreg $0xFFFFFFFF  }
0xc1: {  	_ =	task.clear_ibuf [dreg:s7], $0x2FFFF;
	_ =	strace $0x9FFFFFFF  }
0xc2: {  	(tm) =	ssettm $0x7FFFFFFF  }
0xc3: {  	_ =	shalt  }
tec
execute0_lowered:
.L_overlay_start_1:
0x0: {  	(tag) =	ssettag $0x1  }
0x1: {  	v1 =	vlaneseq.u32;
	v27 =	vimm.s32 $0xFEDCBA98  }
0x2: {  	v31 =	vimm.s32 $0x76543210;
	v33 =	vimm.s32 $0x32107654;
	v34 =	vimm.s32 $0xDCFE98BA  }
0x3: {  	v35 =	vimm.s32 $0x54761032;
	v36 =	vimm.s32 $0xEFCDAB89;
	v37 =	vimm.s32 $0x67452301  }
0x4: {  	v2 =	vor.u32 $0x10, v1;
	v3 =	vor.u32 $0x20, v1;
	v4 =	vor.u32 $0x30, v1  }
0x5: {  	v5 =	vor.u32 $0x40, v1;
	v6 =	vor.u32 $0x50, v1;
	v7 =	vor.u32 $0x60, v1  }
0x6: {  	v8 =	vor.u32 $0x70, v1;
	v9 =	vor.u32 $0x80, v1;
	v10 =	vor.u32 $0x90, v1  }
0x7: {  	v11 =	vor.u32 $0xA0, v1;
	v12 =	vor.u32 $0xB0, v1;
	v13 =	vor.u32 $0xC0, v1  }
0x8: {  	v14 =	vor.u32 $0xD0, v1;
	v15 =	vor.u32 $0xE0, v1;
	v16 =	vor.u32 $0xF0, v1  }
0x9: {  	v17 =	vor.u32 $0x100, v1;
	v18 =	vor.u32 $0x110, v1;
	v19 =	vor.u32 $0x120, v1  }
0xa: {  	v20 =	vor.u32 $0x130, v1;
	v21 =	vor.u32 $0x140, v1;
	v22 =	vor.u32 $0x150, v1  }
0xb: {  	s1 =	srdreg.scid;
	s5 =	rddreg [dreg:$0x0];
	v23 =	vor.u32 $0x160, v1;
	v24 =	vor.u32 $0x170, v1;
	v25 =	vor.u32 $0x180, v1  }
0xc: {  	s0 =	stileid.u32;
	s6 =	rddreg [dreg:$0x1];
	v26 =	vor.u32 $0x190, v1;
	v30 =	vunpack.c.l.s4.s8 v27;
	v27 =	vor.u32 $0x1A0, v1  }
0xd: {  	s2 =	rddreg [dreg:$0x2];
	s3 =	sand.u32 $0x1, s1;
	s30 =	sshll.u32 s0, $0x1;
	v28 =	vor.u32 $0x1B0, v1;
	v29 =	vor.u32 $0x1C0, v1;
	v31 =	vunpack.c.l.s4.s8 v31  }
0xe: {  	v34 =	vunpack.c.l.s4.s8 v34;
	v35 =	vunpack.c.l.s4.s8 v35;
	v36 =	vunpack.c.l.s4.s8 v36;
	s6 =	sadd.s32 $0xE00, s6;
	s4 =	sor.u32 s3, s30;
	s3 =	ssub.s32 $0x2, s3  }
0xf: {  	v37 =	vunpack.c.l.s4.s8 v37;
	p0 =	sgt.u32 s0, $0x7;
	s1 =	sshll.u32 s4, $0x9;
	v32 =	vunpack.c.0.s8.s32 v30;
	v30 =	vimm.s32 $0xBA98FEDC;
	s7 =	sshrl.u32 s3, $0x1  }
0x10: {  	v33 =	vunpack.c.l.s4.s8 v33;
	s31 =	sshll.u32 s4, $0x6;
	v34 =	vunpack.c.0.s8.s32 v34;
	s8 =	sshll.u32 s4, $0x4;
	s9 =	sor.u32 $0x20, s4;
	v30 =	vunpack.c.l.s4.s8 v30  }
0x11: {  	v35 =	vunpack.c.0.s8.s32 v35;
	v36 =	vunpack.c.0.s8.s32 v36;
	v37 =	vunpack.c.0.s8.s32 v37;
	s1 =	sand.u32 $0x600, s1;
	s7 =	ssub.s32 s3, s7;
	s3 =	sadd.s32 s5, s31  }
.Ltmp0:
0x12: {  	v33 =	vunpack.c.0.s8.s32 v33;
	v63 =	vunpack.c.0.s8.s32 v31;
	s4 =	sadd.s32 s6, s8;
	s8 =	sand.u32 $0x70, s8;
	v30 =	vunpack.c.0.s8.s32 v30;
	(pc) =	sbr.rel .LBB2_1-.Ltmp0, $4  }
0x13: {  	s10 =	sshll.u32 s9, $0x4;
	s9 =	sshll.u32 s9, $0x6;
	v0 =	vmov s1;
	s1 =	simm.s32 $0x0;
	v35 =	vcombine.low v35, v34;
	v36 =	vcombine.low v37, v36  }
0x14: {  	v31 =	vor.u32 $0x1E0, v1;
	s10 =	sand.u32 $0x280, s10;
	s6 =	sadd.s32 s6, s8;
	v39 =	vand.u32 $0xF, v32;
	s5 =	sadd.s32 s5, s9;
	v38 =	vcombine.low v33, v30  }
0x15: {  	s7 =	smax.u32 s7, $0x1;
	v32 =	vor.u32 $0x1F0, v1;
	s8 =	simm.s32 $0x1;
	[smem:$0x7FF] =	sst s1;
	v35 =	vand.u32 $0xF, v35;
	v36 =	vand.u32 $0xF, v36  }
0x16: {  	s9 =	simm.s32 $0x200;
	s6 =	sadd.s32 s10, s6;
	_ =	strace $0x80000047;
	v30 =	vor.u32 $0x1D0, v1;
	v33 =	vcombine.low v39, v63;
	v34 =	vand.u32 $0xF, v38  }
.LBB2_3:
0x17: {  	s7 =	sadd.s32 $0xFFFFFFFF, s7  }
0x18: {  	p1 =	sne.s32 s7, $0x0  }
.Ltmp1:
0x19: {  	_ = 	snop;
	(pc) =	sbr.rel @!p1 .LBB2_4-.Ltmp1, $1  }
0x1a: {  	_ =	sdelay $0x3  }
.LBB2_1:
0x1b: {  	[tilespmem:s1], [sflag:$0x1] =	stream.linear.gather [hbm4b:s3+s1], $0x200, $0x38;
	[tilespmem:$0x280] =	vst v63  }
0x1c: {  	_ =	swait.ge [sflag:s8], $0x200  }
0x1d: {  	[sflag:s8] =	ssyncset.done $0x0  }
0x1e: {  	[sflag:s8] =	ssyncadd.s32 $0xFFFFFE00  }
0x1f: {  	v37 =	vld [tilespmem:$0x0];
	_ =	sdelay $0x2  }
0x20: {  	v38 =	vld [tilespmem:$0x10];
	_ =	sdelay $0x1  }
0x21: {  	v39 =	vld [tilespmem:$0x20];
	vm0 =	vlt.f32 v37, $-Inf;
	vm1 =	vgt.f32 v37, $-Inf  }
0x22: {  	vm0 =	vmor vm1, vm0  }
0x23: {  	v40 =	vld [tilespmem:$0x30];
	v37 =	vnsel vm0, $0xFF800000, v37  }
0x24: {  	vm1 =	vgt.f32 v38, v37  }
0x25: {  	v51 =	vld [tilespmem:$0x40];
	v37 =	vsel vm1, v38, v37  }
0x26: {  	vm2 =	vgt.f32 v39, v37  }
0x27: {  	v52 =	vld [tilespmem:$0x50];
	v37 =	vsel vm2, v39, v37  }
0x28: {  	vm3 =	vgt.f32 v40, v37  }
0x29: {  	v53 =	vld [tilespmem:$0x60];
	v37 =	vsel vm3, v40, v37  }
0x2a: {  	vm4 =	vgt.f32 v51, v37  }
0x2b: {  	v54 =	vld [tilespmem:$0x70];
	v37 =	vsel vm4, v51, v37  }
0x2c: {  	vm5 =	vgt.f32 v52, v37  }
0x2d: {  	v55 =	vld [tilespmem:$0x80];
	v37 =	vsel vm5, v52, v37  }
0x2e: {  	vm6 =	vgt.f32 v53, v37  }
0x2f: {  	v56 =	vld [tilespmem:$0x90];
	v37 =	vsel vm6, v53, v37  }
0x30: {  	vm7 =	vgt.f32 v54, v37  }
0x31: {  	v57 =	vld [tilespmem:$0xA0];
	v37 =	vsel vm7, v54, v37  }
0x32: {  	vm8 =	vgt.f32 v55, v37  }
0x33: {  	v58 =	vld [tilespmem:$0xB0];
	v37 =	vsel vm8, v55, v37  }
0x34: {  	vm9 =	vgt.f32 v56, v37  }
0x35: {  	v59 =	vld [tilespmem:$0xC0];
	v37 =	vsel vm9, v56, v37  }
0x36: {  	vm10 =	vgt.f32 v57, v37  }
0x37: {  	v60 =	vld [tilespmem:$0xD0];
	v37 =	vsel vm10, v57, v37  }
0x38: {  	vm11 =	vgt.f32 v58, v37  }
0x39: {  	v61 =	vld [tilespmem:$0xE0];
	v37 =	vsel vm11, v58, v37  }
0x3a: {  	vm12 =	vgt.f32 v59, v37  }
0x3b: {  	v62 =	vld [tilespmem:$0xF0];
	v37 =	vsel vm12, v59, v37  }
0x3c: {  	vm13 =	vgt.f32 v60, v37  }
0x3d: {  	v63 =	vld [tilespmem:$0x100];
	v37 =	vsel vm13, v60, v37  }
0x3e: {  	vm14 =	vgt.f32 v61, v37  }
0x3f: {  	v44 =	vld [tilespmem:$0x110];
	v37 =	vsel vm14, v61, v37  }
0x40: {  	vm15 =	vgt.f32 v62, v37  }
0x41: {  	v45 =	vld [tilespmem:$0x120];
	v37 =	vsel vm15, v62, v37  }
0x42: {  	v41 =	vnsel vm0, $0x0, v1;
	vm0 =	vgt.f32 v63, v37  }
0x43: {  	v46 =	vld [tilespmem:$0x130];
	v41 =	vsel vm1, v2, v41;
	v37 =	vsel vm0, v63, v37  }
0x44: {  	v41 =	vsel vm2, v3, v41;
	vm1 =	vgt.f32 v44, v37  }
0x45: {  	v47 =	vld [tilespmem:$0x140];
	v41 =	vsel vm3, v4, v41;
	v37 =	vsel vm1, v44, v37  }
0x46: {  	v41 =	vsel vm4, v5, v41;
	vm2 =	vgt.f32 v45, v37  }
0x47: {  	v48 =	vld [tilespmem:$0x150];
	v41 =	vsel vm5, v6, v41;
	v37 =	vsel vm2, v45, v37  }
0x48: {  	v41 =	vsel vm6, v7, v41;
	vm3 =	vgt.f32 v46, v37  }
0x49: {  	v49 =	vld [tilespmem:$0x160];
	v41 =	vsel vm7, v8, v41;
	v37 =	vsel vm3, v46, v37  }
0x4a: {  	v41 =	vsel vm8, v9, v41;
	vm4 =	vgt.f32 v47, v37  }
0x4b: {  	v50 =	vld [tilespmem:$0x170];
	v41 =	vsel vm9, v10, v41;
	v37 =	vsel vm4, v47, v37  }
0x4c: {  	v41 =	vsel vm10, v11, v41;
	vm5 =	vgt.f32 v48, v37  }
0x4d: {  	v51 =	vld [tilespmem:$0x180];
	v41 =	vsel vm11, v12, v41;
	v37 =	vsel vm5, v48, v37  }
0x4e: {  	v41 =	vsel vm12, v13, v41;
	vm12 =	vgt.f32 v49, v37  }
0x4f: {  	v52 =	vld [tilespmem:$0x190];
	v41 =	vsel vm13, v14, v41;
	v37 =	vsel vm12, v49, v37  }
0x50: {  	v41 =	vsel vm14, v15, v41;
	vm14 =	vgt.f32 v50, v37  }
0x51: {  	v53 =	vld [tilespmem:$0x1A0];
	v41 =	vsel vm15, v16, v41;
	v37 =	vsel vm14, v50, v37  }
0x52: {  	v41 =	vsel vm0, v17, v41;
	vm8 =	vgt.f32 v51, v37  }
0x53: {  	v54 =	vld [tilespmem:$0x1B0];
	v41 =	vsel vm1, v18, v41;
	v37 =	vsel vm8, v51, v37  }
0x54: {  	v41 =	vsel vm2, v19, v41;
	vm9 =	vgt.f32 v52, v37  }
0x55: {  	v55 =	vld [tilespmem:$0x1C0];
	v41 =	vsel vm3, v20, v41;
	v37 =	vsel vm9, v52, v37  }
0x56: {  	v41 =	vsel vm4, v21, v41;
	vm10 =	vgt.f32 v53, v37  }
0x57: {  	v56 =	vld [tilespmem:$0x1D0];
	v41 =	vsel vm5, v22, v41;
	v37 =	vsel vm10, v53, v37  }
0x58: {  	v41 =	vsel vm12, v23, v41;
	vm11 =	vgt.f32 v54, v37  }
0x59: {  	v57 =	vld [tilespmem:$0x1E0];
	v41 =	vsel vm14, v24, v41;
	v37 =	vsel vm11, v54, v37  }
0x5a: {  	v41 =	vsel vm8, v25, v41;
	vm12 =	vgt.f32 v55, v37  }
0x5b: {  	v58 =	vld [tilespmem:$0x1F0];
	v41 =	vsel vm9, v26, v41;
	v37 =	vsel vm12, v55, v37  }
0x5c: {  	v41 =	vsel vm10, v27, v41;
	vm13 =	vgt.f32 v56, v37  }
0x5d: {  	v59 =	vsel vm11, v28, v41;
	v37 =	vsel vm13, v56, v37  }
0x5e: {  	v39 =	vsel vm12, v29, v59;
	vm14 =	vgt.f32 v57, v37  }
0x5f: {  	v39 =	vsel vm13, v30, v39;
	v37 =	vsel vm14, v57, v37  }
0x60: {  	v39 =	vsel vm14, v31, v39;
	vm15 =	vgt.f32 v58, v37  }
0x61: {  	v37 =	vsel vm15, v58, v37;
	v60 =	vsel vm15, v32, v39  }
0x62: {  	v61 =	vperm.xlane v37, v33;
	v62 =	vperm.xlane v60, v33;
	_ =	sdelay $0x1  }
0x63: {  	vm4 =	veq.f32 v61, v37;
	vm5 =	vlt.s32 v62, v60  }
0x64: {  	vm6 =	vgt.f32 v61, v37;
	vm0 =	vmand vm4, vm5  }
0x65: {  	vm0 =	vmor vm6, vm0  }
0x66: {  	v37 =	vsel vm0, v61, v37;
	v38 =	vsel vm0, v62, v60  }
0x67: {  	v39 =	vperm.xlane v37, v34;
	v40 =	vperm.xlane v38, v34;
	_ =	sdelay $0x1  }
0x68: {  	vm7 =	veq.f32 v39, v37;
	vm8 =	vlt.s32 v40, v38  }
0x69: {  	vm9 =	vgt.f32 v39, v37;
	vm0 =	vmand vm7, vm8  }
0x6a: {  	vm0 =	vmor vm9, vm0  }
0x6b: {  	v37 =	vsel vm0, v39, v37;
	v38 =	vsel vm0, v40, v38  }
0x6c: {  	v39 =	vperm.xlane v37, v35;
	v40 =	vperm.xlane v38, v35;
	_ =	sdelay $0x1  }
0x6d: {  	vm10 =	veq.f32 v39, v37;
	vm11 =	vlt.s32 v40, v38  }
0x6e: {  	vm12 =	vgt.f32 v39, v37;
	vm0 =	vmand vm10, vm11  }
0x6f: {  	vm0 =	vmor vm12, vm0  }
0x70: {  	v37 =	vsel vm0, v39, v37;
	v38 =	vsel vm0, v40, v38  }
0x71: {  	v39 =	vperm.xlane v37, v36;
	v40 =	vperm.xlane v38, v36;
	_ =	sdelay $0x1  }
0x72: {  	vm13 =	veq.f32 v39, v37;
	vm14 =	vlt.s32 v40, v38  }
0x73: {  	vm15 =	vgt.f32 v39, v37;
	vm0 =	vmand vm13, vm14  }
0x74: {  	vm0 =	vmor vm15, vm0  }
0x75: {  	v63 =	vsel vm0, v40, v38  }
0x76: {  	v37 =	vadd.s32 v0, v63  }
.Ltmp2:
0x77: {  	[tilespmem:$0x200] =	vst v37;
	(pc) =	sbr.rel @p0 .LBB2_3-.Ltmp2, $4  }
0x78: {  	[hbm4b:s4+s1] =	stream.linear.scatter [tilespmem:s9], [sflag:$0x1], $0x80, $0x38;
	[tilespmem:$0x280] =	vst v63  }
0x79: {  	_ =	swait.ge [sflag:s8], $0x80  }
0x7a: {  	[sflag:s8] =	ssyncset.done $0x0  }
0x7b: {  	[sflag:s8] =	ssyncadd.s32 $0xFFFFFF80  }
0x7c: {  	[tilespmem:s1], [sflag:$0x1] =	stream.linear.gather [hbm4b:s5+s1], $0x200, $0x38;
	[tilespmem:$0x280] =	vst v63  }
0x7d: {  	_ =	swait.ge [sflag:s8], $0x200  }
0x7e: {  	[sflag:s8] =	ssyncset.done $0x0  }
0x7f: {  	[sflag:s8] =	ssyncadd.s32 $0xFFFFFE00  }
0x80: {  	v37 =	vld [tilespmem:$0x0];
	_ =	sdelay $0x2  }
0x81: {  	v38 =	vld [tilespmem:$0x10];
	_ =	sdelay $0x1  }
0x82: {  	v39 =	vld [tilespmem:$0x20];
	vm0 =	vlt.f32 v37, $-Inf;
	vm1 =	vgt.f32 v37, $-Inf  }
0x83: {  	vm0 =	vmor vm1, vm0  }
0x84: {  	v40 =	vld [tilespmem:$0x30];
	v37 =	vnsel vm0, $0xFF800000, v37  }
0x85: {  	vm1 =	vgt.f32 v38, v37  }
0x86: {  	v51 =	vld [tilespmem:$0x40];
	v37 =	vsel vm1, v38, v37  }
0x87: {  	vm2 =	vgt.f32 v39, v37  }
0x88: {  	v52 =	vld [tilespmem:$0x50];
	v37 =	vsel vm2, v39, v37  }
0x89: {  	vm3 =	vgt.f32 v40, v37  }
0x8a: {  	v53 =	vld [tilespmem:$0x60];
	v37 =	vsel vm3, v40, v37  }
0x8b: {  	vm4 =	vgt.f32 v51, v37  }
0x8c: {  	v54 =	vld [tilespmem:$0x70];
	v37 =	vsel vm4, v51, v37  }
0x8d: {  	vm5 =	vgt.f32 v52, v37  }
0x8e: {  	v55 =	vld [tilespmem:$0x80];
	v37 =	vsel vm5, v52, v37  }
0x8f: {  	vm6 =	vgt.f32 v53, v37  }
0x90: {  	v56 =	vld [tilespmem:$0x90];
	v37 =	vsel vm6, v53, v37  }
0x91: {  	vm7 =	vgt.f32 v54, v37  }
0x92: {  	v57 =	vld [tilespmem:$0xA0];
	v37 =	vsel vm7, v54, v37  }
0x93: {  	vm8 =	vgt.f32 v55, v37  }
0x94: {  	v58 =	vld [tilespmem:$0xB0];
	v37 =	vsel vm8, v55, v37  }
0x95: {  	vm9 =	vgt.f32 v56, v37  }
0x96: {  	v59 =	vld [tilespmem:$0xC0];
	v37 =	vsel vm9, v56, v37  }
0x97: {  	vm10 =	vgt.f32 v57, v37  }
0x98: {  	v60 =	vld [tilespmem:$0xD0];
	v37 =	vsel vm10, v57, v37  }
0x99: {  	vm11 =	vgt.f32 v58, v37  }
0x9a: {  	v61 =	vld [tilespmem:$0xE0];
	v37 =	vsel vm11, v58, v37  }
0x9b: {  	vm12 =	vgt.f32 v59, v37  }
0x9c: {  	v62 =	vld [tilespmem:$0xF0];
	v37 =	vsel vm12, v59, v37  }
0x9d: {  	vm13 =	vgt.f32 v60, v37  }
0x9e: {  	v63 =	vld [tilespmem:$0x100];
	v37 =	vsel vm13, v60, v37  }
0x9f: {  	vm14 =	vgt.f32 v61, v37  }
0xa0: {  	v44 =	vld [tilespmem:$0x110];
	v37 =	vsel vm14, v61, v37  }
0xa1: {  	vm15 =	vgt.f32 v62, v37  }
0xa2: {  	v45 =	vld [tilespmem:$0x120];
	v37 =	vsel vm15, v62, v37  }
0xa3: {  	v41 =	vnsel vm0, $0x0, v1;
	vm0 =	vgt.f32 v63, v37  }
0xa4: {  	v46 =	vld [tilespmem:$0x130];
	v41 =	vsel vm1, v2, v41;
	v37 =	vsel vm0, v63, v37  }
0xa5: {  	v41 =	vsel vm2, v3, v41;
	vm1 =	vgt.f32 v44, v37  }
0xa6: {  	v47 =	vld [tilespmem:$0x140];
	v41 =	vsel vm3, v4, v41;
	v37 =	vsel vm1, v44, v37  }
0xa7: {  	v41 =	vsel vm4, v5, v41;
	vm2 =	vgt.f32 v45, v37  }
0xa8: {  	v48 =	vld [tilespmem:$0x150];
	v41 =	vsel vm5, v6, v41;
	v37 =	vsel vm2, v45, v37  }
0xa9: {  	v41 =	vsel vm6, v7, v41;
	vm3 =	vgt.f32 v46, v37  }
0xaa: {  	v49 =	vld [tilespmem:$0x160];
	v41 =	vsel vm7, v8, v41;
	v37 =	vsel vm3, v46, v37  }
0xab: {  	v41 =	vsel vm8, v9, v41;
	vm4 =	vgt.f32 v47, v37  }
0xac: {  	v50 =	vld [tilespmem:$0x170];
	v41 =	vsel vm9, v10, v41;
	v37 =	vsel vm4, v47, v37  }
0xad: {  	v41 =	vsel vm10, v11, v41;
	vm5 =	vgt.f32 v48, v37  }
0xae: {  	v51 =	vld [tilespmem:$0x180];
	v41 =	vsel vm11, v12, v41;
	v37 =	vsel vm5, v48, v37  }
0xaf: {  	v41 =	vsel vm12, v13, v41;
	vm12 =	vgt.f32 v49, v37  }
0xb0: {  	v52 =	vld [tilespmem:$0x190];
	v41 =	vsel vm13, v14, v41;
	v37 =	vsel vm12, v49, v37  }
0xb1: {  	v41 =	vsel vm14, v15, v41;
	vm14 =	vgt.f32 v50, v37  }
0xb2: {  	v53 =	vld [tilespmem:$0x1A0];
	v41 =	vsel vm15, v16, v41;
	v37 =	vsel vm14, v50, v37  }
0xb3: {  	v41 =	vsel vm0, v17, v41;
	vm8 =	vgt.f32 v51, v37  }
0xb4: {  	v54 =	vld [tilespmem:$0x1B0];
	v41 =	vsel vm1, v18, v41;
	v37 =	vsel vm8, v51, v37  }
0xb5: {  	v41 =	vsel vm2, v19, v41;
	vm9 =	vgt.f32 v52, v37  }
0xb6: {  	v55 =	vld [tilespmem:$0x1C0];
	v41 =	vsel vm3, v20, v41;
	v37 =	vsel vm9, v52, v37  }
0xb7: {  	v41 =	vsel vm4, v21, v41;
	vm10 =	vgt.f32 v53, v37  }
0xb8: {  	v56 =	vld [tilespmem:$0x1D0];
	v41 =	vsel vm5, v22, v41;
	v37 =	vsel vm10, v53, v37  }
0xb9: {  	v41 =	vsel vm12, v23, v41;
	vm11 =	vgt.f32 v54, v37  }
0xba: {  	v57 =	vld [tilespmem:$0x1E0];
	v41 =	vsel vm14, v24, v41;
	v37 =	vsel vm11, v54, v37  }
0xbb: {  	v41 =	vsel vm8, v25, v41;
	vm12 =	vgt.f32 v55, v37  }
0xbc: {  	v58 =	vld [tilespmem:$0x1F0];
	v41 =	vsel vm9, v26, v41;
	v37 =	vsel vm12, v55, v37  }
0xbd: {  	v41 =	vsel vm10, v27, v41;
	vm13 =	vgt.f32 v56, v37  }
0xbe: {  	v59 =	vsel vm11, v28, v41;
	v37 =	vsel vm13, v56, v37  }
0xbf: {  	v39 =	vsel vm12, v29, v59;
	vm14 =	vgt.f32 v57, v37  }
0xc0: {  	v39 =	vsel vm13, v30, v39;
	v37 =	vsel vm14, v57, v37  }
0xc1: {  	v39 =	vsel vm14, v31, v39;
	vm15 =	vgt.f32 v58, v37  }
0xc2: {  	v37 =	vsel vm15, v58, v37;
	v60 =	vsel vm15, v32, v39  }
0xc3: {  	v61 =	vperm.xlane v37, v33;
	v62 =	vperm.xlane v60, v33;
	_ =	sdelay $0x1  }
0xc4: {  	vm4 =	veq.f32 v61, v37;
	vm5 =	vlt.s32 v62, v60  }
0xc5: {  	vm6 =	vgt.f32 v61, v37;
	vm0 =	vmand vm4, vm5  }
0xc6: {  	vm0 =	vmor vm6, vm0  }
0xc7: {  	v37 =	vsel vm0, v61, v37;
	v38 =	vsel vm0, v62, v60  }
0xc8: {  	v39 =	vperm.xlane v37, v34;
	v40 =	vperm.xlane v38, v34;
	_ =	sdelay $0x1  }
0xc9: {  	vm7 =	veq.f32 v39, v37;
	vm8 =	vlt.s32 v40, v38  }
0xca: {  	vm9 =	vgt.f32 v39, v37;
	vm0 =	vmand vm7, vm8  }
0xcb: {  	vm0 =	vmor vm9, vm0  }
0xcc: {  	v37 =	vsel vm0, v39, v37;
	v38 =	vsel vm0, v40, v38  }
0xcd: {  	v39 =	vperm.xlane v37, v35;
	v40 =	vperm.xlane v38, v35;
	_ =	sdelay $0x1  }
0xce: {  	vm10 =	veq.f32 v39, v37;
	vm11 =	vlt.s32 v40, v38  }
0xcf: {  	vm12 =	vgt.f32 v39, v37;
	vm0 =	vmand vm10, vm11  }
0xd0: {  	vm0 =	vmor vm12, vm0  }
0xd1: {  	v37 =	vsel vm0, v39, v37;
	v38 =	vsel vm0, v40, v38  }
0xd2: {  	v39 =	vperm.xlane v37, v36;
	v40 =	vperm.xlane v38, v36;
	_ =	sdelay $0x1  }
0xd3: {  	vm13 =	veq.f32 v39, v37;
	vm14 =	vlt.s32 v40, v38  }
0xd4: {  	vm15 =	vgt.f32 v39, v37;
	vm0 =	vmand vm13, vm14  }
0xd5: {  	vm0 =	vmor vm15, vm0  }
0xd6: {  	v63 =	vsel vm0, v40, v38  }
0xd7: {  	v37 =	vadd.s32 v0, v63  }
.Ltmp3:
0xd8: {  	[tilespmem:$0x200] =	vst v37;
	(pc) =	sbr.rel .LBB2_3-.Ltmp3, $4  }
0xd9: {  	[hbm4b:s6+s1] =	stream.linear.scatter [tilespmem:s9], [sflag:$0x1], $0x80, $0x38;
	[tilespmem:$0x280] =	vst v63  }
0xda: {  	_ =	swait.ge [sflag:s8], $0x80  }
0xdb: {  	[sflag:s8] =	ssyncset.done $0x0  }
0xdc: {  	[sflag:s8] =	ssyncadd.s32 $0xFFFFFF80  }
.LBB2_4:
0xdd: {  	_ =	sfence.sel $0x180000  }
0xde: {  	[bflag:$0x0] =	sbarrier.arrive $0xFFFF  }
0xdf: {  	p0 =	sne.s32 s0, $0x0;
	_ =	strace $0x90000047  }
0xe0: {  	s0 =	sadd.s32 @!p0 $0x100000, s2;
	[bflag:$0x2] =	sbarrier.arrive $0xFFFF  }
0xe1: {  	[sflag:s0] =	ssyncadd.tile.s32 @!p0 $0x1;
	_ =	shalt  }
.Lfunc_end2:
_tile_overlayer_lowered:
.L_overlay_start_2:
0xe2: {  	(tag) =	ssettag $0x2  }
0xe3: {  	s0 =	rddreg [dreg:$0x0];
	s2 =	stileid.u32  }
0xe4: {  	s1 =	rddreg [dreg:$0x1];
	p0 =	sne.s32 s2, $0x0  }
0xe5: {  	s3 =	rddreg [dreg:$0x2];
	[bflag:$0x3] =	sbarrier.arrive $0xFFFF;
	s2 =	simm.s32 @!p0 $0x1C01  }
0xe6: {  	[timem:s3], [sflag:s2] =	dma.local @!p0 [hbm:s0], s1  }
0xe7: {  	s0 =	simm.s32 @!p0 $0x1  }
0xe8: {  	_ =	swait.ge @!p0 [sflag:s0], s1  }
0xe9: {  	s1 =	ssub.s32 @!p0 $0x0, s1;
	[sflag:s0] =	ssyncset.done @!p0 $0x0  }
0xea: {  	[sflag:s0] =	ssyncadd.s32 @!p0 s1  }
0xeb: {  	[bflag:$0x3] =	sbarrier.arrive $0xFFFF  }
0xec: {  	_ =	shalt  }

</sc_bundles>
